<compile_context>
chip_gen: v7x
topology: tpu7x:2x2x1
jax: 0.10.2.dev20260603
libtpu: 0.0.44.dev20260713+nightly
codegen_flags: <defaults>
</compile_context>

<pallas_src>
import jax
import jax.numpy as jnp
from jax.experimental import pallas as pl
from jax.experimental.pallas import tpu as pltpu

_N = 5000
_B = 128
_NB = 40
_NP = _NB * _B
_IOU_T = 0.3
_SCORE_T = 0.01
_WSTEP = 5 * _B


def _nms_kernel(c_ref, s_ref, out_ref, wc_ref):
    lane = jax.lax.broadcasted_iota(jnp.int32, (_B, _B), 1)
    sub = jax.lax.broadcasted_iota(jnp.int32, (_B, _B), 0)
    upper = lane > sub

    wc_ref[...] = jnp.zeros((8, _NP), jnp.float32)

    def wide_sup(width, x1c, y1c, x2c, y2c, arc):
        x1g = wc_ref[0:1, :width]
        y1g = wc_ref[1:2, :width]
        x2g = wc_ref[2:3, :width]
        y2g = wc_ref[3:4, :width]
        areag = wc_ref[4:5, :width]
        xx1 = jnp.maximum(x1c, x1g)
        yy1 = jnp.maximum(y1c, y1g)
        xx2 = jnp.minimum(x2c, x2g)
        yy2 = jnp.minimum(y2c, y2g)
        iw = jnp.maximum(xx2 - xx1, 0.0)
        ih = jnp.maximum(yy2 - yy1, 0.0)
        inter = iw * ih
        union = arc + areag - inter
        iou = inter / jnp.maximum(union, 1e-9)
        hit = jnp.where(iou > _IOU_T, 1.0, 0.0)
        return jnp.max(hit, axis=1, keepdims=True)

    def block_body(i, carry):
        x1r = c_ref[0, pl.ds(i, 1), :]
        y1r = c_ref[1, pl.ds(i, 1), :]
        x2r = c_ref[2, pl.ds(i, 1), :]
        y2r = c_ref[3, pl.ds(i, 1), :]
        sr = s_ref[pl.ds(i, 1), :]
        arear = (x2r - x1r) * (y2r - y1r)
        st = jnp.concatenate([x1r, y1r, x2r, y2r, arear], axis=0).T
        x1c = st[:, 0:1]
        y1c = st[:, 1:2]
        x2c = st[:, 2:3]
        y2c = st[:, 3:4]
        arc = st[:, 4:5]

        branches = [
            (lambda w: (lambda: wide_sup(w, x1c, y1c, x2c, y2c, arc)))(
                _WSTEP * (k + 1)) for k in range(8)
        ]
        sup_col = jax.lax.switch(i // 5, branches)
        sup_row = jnp.broadcast_to(sup_col, (_B, _B)).T[0:1, :]

        xx1 = jnp.maximum(x1c, x1r)
        yy1 = jnp.maximum(y1c, y1r)
        xx2 = jnp.minimum(x2c, x2r)
        yy2 = jnp.minimum(y2c, y2r)
        iw = jnp.maximum(xx2 - xx1, 0.0)
        ih = jnp.maximum(yy2 - yy1, 0.0)
        inter = iw * ih
        union = arc + arear - inter
        iou = inter / jnp.maximum(union, 1e-9)
        mgtu = jnp.where((iou > _IOU_T) & upper, 1.0, 0.0)

        invalid = jnp.where(sr > _SCORE_T, 0.0, 1.0)
        act = 1.0 - jnp.maximum(sup_row, invalid)

        def fx_cond(state):
            u, l = state
            return jnp.sum(u - l) > 0.5

        def fx_body(state):
            u, l = state
            mu = jax.lax.dot_general(
                u, mgtu, (((1,), (0,)), ((), ())),
                preferred_element_type=jnp.float32)
            ml = jax.lax.dot_general(
                l, mgtu, (((1,), (0,)), ((), ())),
                preferred_element_type=jnp.float32)
            u_new = act * jnp.where(ml > 0.5, 0.0, 1.0)
            l_new = act * jnp.where(mu > 0.5, 0.0, 1.0)
            return (u_new, l_new)

        _, keep_b = jax.lax.while_loop(
            fx_cond, fx_body, (act, jnp.zeros((1, _B), jnp.float32)))

        out_ref[pl.ds(i, 1), :] = keep_b
        base = i * _B
        wc_ref[0:1, pl.ds(base, _B)] = x1r * keep_b
        wc_ref[1:2, pl.ds(base, _B)] = y1r * keep_b
        wc_ref[2:3, pl.ds(base, _B)] = x2r * keep_b
        wc_ref[3:4, pl.ds(base, _B)] = y2r * keep_b
        wc_ref[4:5, pl.ds(base, _B)] = arear * keep_b
        return carry

    jax.lax.fori_loop(0, _NB, block_body, 0)
    out_ref[...] = out_ref[...] * s_ref[...]


def kernel(boxes, scores):
    order = jnp.argsort(-scores)
    b = jnp.take(boxes, order, axis=0)
    s = jnp.take(scores, order, axis=0)
    bp = jnp.concatenate([b, jnp.zeros((_NP - _N, 4), jnp.float32)], axis=0)
    sp = jnp.concatenate([s, jnp.zeros((_NP - _N,), jnp.float32)], axis=0)
    coords = bp.T.reshape(4, _NB, _B)
    sgrid = sp.reshape(_NB, _B)
    ks = pl.pallas_call(
        _nms_kernel,
        out_shape=jax.ShapeDtypeStruct((_NB, _B), jnp.float32),
        scratch_shapes=[pltpu.VMEM((8, _NP), jnp.float32)],
    )(coords, sgrid)
    return b * ks.reshape(_NP)[:_N, None]

# --- scband reference (transcript-rebuilt; emitter-appended) ---
"""Pipeline reference for scband-keypoint-pipeline-52355651338903 (READ-ONLY COPY).

The authoritative reference and input builder live on the scoring server;
editing this copy changes nothing except your own understanding.
"""

import jax, jax.numpy as jnp
import numpy as np

N = 5000
IOU_THRESHOLD = 0.3
SCORE_THRESHOLD = 0.01


def setup_inputs(seed: int = 0) -> dict:
    key = jax.random.key(seed)
    k1, k2, k3 = jax.random.split(key, 3)
    # boxes: valid [x1, y1, x2, y2] in a ~1024px image (fill=rand, scaled)
    xy = jax.random.uniform(k1, (N, 2), dtype=jnp.float32) * 960.0
    wh = jax.random.uniform(k2, (N, 2), dtype=jnp.float32) * 64.0 + 1.0
    boxes = jnp.concatenate([xy, xy + wh], axis=1)
    scores = jax.random.uniform(k3, (N,), dtype=jnp.float32)
    return {"boxes": boxes, "scores": scores}


def _pairwise_iou(boxes):
    x1, y1, x2, y2 = boxes[:, 0], boxes[:, 1], boxes[:, 2], boxes[:, 3]
    area = (x2 - x1) * (y2 - y1)
    xx1 = jnp.maximum(x1[:, None], x1[None, :])
    yy1 = jnp.maximum(y1[:, None], y1[None, :])
    xx2 = jnp.minimum(x2[:, None], x2[None, :])
    yy2 = jnp.minimum(y2[:, None], y2[None, :])
    inter_w = jnp.clip(xx2 - xx1, 0.0)
    inter_h = jnp.clip(yy2 - yy1, 0.0)
    inter = inter_w * inter_h
    union = area[:, None] + area[None, :] - inter
    return inter / jnp.maximum(union, 1e-9)


def _compute_keep(boxes_sorted, scores_sorted):
    # greedy NMS over score-descending boxes, iou threshold 0.3,
    # preceded by score > 0.01 filter (mirrors process_model_output)
    iou = _pairwise_iou(boxes_sorted)
    valid = scores_sorted > SCORE_THRESHOLD
    idx = jnp.arange(N)

    def body(i, keep):
        suppress = (iou[i] > IOU_THRESHOLD) & (idx > i) & keep[i]
        return keep & (~suppress)

    keep = jax.lax.fori_loop(0, N, body, valid)
    return keep


def reference(boxes, scores):
    # sort by score descending (as torchvision.ops.nms does internally)
    order = jnp.argsort(-scores)
    b = jnp.take(boxes, order, axis=0)
    s = jnp.take(scores, order, axis=0)
    # NMS keep mask is a hard selection: no gradient flows through it
    keep = _compute_keep(jax.lax.stop_gradient(b), jax.lax.stop_gradient(s))
    keep_f = keep.astype(b.dtype)
    # kept detections: boxes weighted by their (kept) scores; suppressed rows zeroed
    out = b * (s * keep_f)[:, None]
    return out

if __name__ == "__main__":
    import jax
    _d = setup_inputs()
    print(jax.jit(kernel)(*tuple(_d.values())))

</pallas_src>

<mosaic_0001>
module attributes {stable_mosaic.version = 14 : i64} {
  func.func @_nms_kernel(%arg0: memref<4x40x128xf32, #tpu.memory_space<vmem>>, %arg1: memref<40x128xf32, #tpu.memory_space<vmem>>, %arg2: memref<40x128xf32, #tpu.memory_space<vmem>>, %arg3: memref<8x5120xf32, #tpu.memory_space<vmem>>) attributes {dimension_semantics = [], scalar_prefetch = 0 : i64, scratch_operands = 1 : i64, tpu.core_type = #tpu.core_type<tc>} {
    %iota3A = tpu.iota {dimensions = array<i32: 1>} : vector<128x128xi32>
    %iota3A_0 = tpu.iota {dimensions = array<i32: 0>} : vector<128x128xi32>
    %gt3A = arith.cmpi sgt, %iota3A, %iota3A_0 : vector<128x128xi32>
    %broadcast_in_dim3A = arith.constant 0.000000e+00 : f32
    %broadcast_in_dim3A_1 = vector.broadcast %broadcast_in_dim3A : f32 to vector<8x5120xf32>
    %swap3A = arith.constant 0 : index
    %swap3A_2 = arith.constant 0 : index
    %swap3A_3 = vector.load %arg3[%swap3A, %swap3A_2] : memref<8x5120xf32, #tpu.memory_space<vmem>>, vector<8x5120xf32>
    tpu.vector_store %arg3[%swap3A, %swap3A_2], %broadcast_in_dim3A_1 {strides = array<i32>} : memref<8x5120xf32, #tpu.memory_space<vmem>>, vector<8x5120xf32>,
    %scan3A = arith.constant 0 : i32
    %scan3A_4 = arith.constant 40 : i32
    %scan3A_5 = arith.addi %scan3A, %scan3A_4 : i32
    %scan3A_6 = arith.constant 1 : i32
    scf.for %scan3A_16 = %scan3A to %scan3A_5 step %scan3A_6  : i32 {
      %get3A_17 = arith.constant 0 : index
      %get3A_18 = arith.index_cast %scan3A_16 : i32 to index
      %get3A_19 = arith.constant 0 : index
      %get3A_20 = vector.load %arg0[%get3A_17, %get3A_18, %get3A_19] : memref<4x40x128xf32, #tpu.memory_space<vmem>>, vector<1x1x128xf32>
      %get3A_21 = vector.shape_cast %get3A_20 : vector<1x1x128xf32> to vector<1x128xf32>
      %get3A_22 = arith.constant 1 : index
      %get3A_23 = arith.index_cast %scan3A_16 : i32 to index
      %get3A_24 = arith.constant 0 : index
      %get3A_25 = vector.load %arg0[%get3A_22, %get3A_23, %get3A_24] : memref<4x40x128xf32, #tpu.memory_space<vmem>>, vector<1x1x128xf32>
      %get3A_26 = vector.shape_cast %get3A_25 : vector<1x1x128xf32> to vector<1x128xf32>
      %get3A_27 = arith.constant 2 : index
      %get3A_28 = arith.index_cast %scan3A_16 : i32 to index
      %get3A_29 = arith.constant 0 : index
      %get3A_30 = vector.load %arg0[%get3A_27, %get3A_28, %get3A_29] : memref<4x40x128xf32, #tpu.memory_space<vmem>>, vector<1x1x128xf32>
      %get3A_31 = vector.shape_cast %get3A_30 : vector<1x1x128xf32> to vector<1x128xf32>
      %get3A_32 = arith.constant 3 : index
      %get3A_33 = arith.index_cast %scan3A_16 : i32 to index
      %get3A_34 = arith.constant 0 : index
      %get3A_35 = vector.load %arg0[%get3A_32, %get3A_33, %get3A_34] : memref<4x40x128xf32, #tpu.memory_space<vmem>>, vector<1x1x128xf32>
      %get3A_36 = vector.shape_cast %get3A_35 : vector<1x1x128xf32> to vector<1x128xf32>
      %get3A_37 = arith.index_cast %scan3A_16 : i32 to index
      %get3A_38 = arith.constant 0 : index
      %get3A_39 = vector.load %arg1[%get3A_37, %get3A_38] : memref<40x128xf32, #tpu.memory_space<vmem>>, vector<1x128xf32>
      %sub3A = arith.subf %get3A_31, %get3A_21 : vector<1x128xf32>
      %sub3A_40 = arith.subf %get3A_36, %get3A_26 : vector<1x128xf32>
      %mul3A_41 = arith.mulf %sub3A, %sub3A_40 : vector<1x128xf32>
      %concatenate3A = tpu.concatenate %get3A_21, %get3A_26, %get3A_31, %get3A_36, %mul3A_41 in 0 : vector<1x128xf32>, vector<1x128xf32>, vector<1x128xf32>, vector<1x128xf32>, vector<1x128xf32> -> vector<5x128xf32>
      %transpose3A = tpu.transpose %concatenate3A, [1, 0] : vector<5x128xf32> -> vector<128x5xf32>
      %slice3A = vector.extract_strided_slice %transpose3A {offsets = [0, 0], sizes = [128, 1], strides = [1, 1]} : vector<128x5xf32> to vector<128x1xf32>
      %slice3A_42 = vector.extract_strided_slice %transpose3A {offsets = [0, 1], sizes = [128, 1], strides = [1, 1]} : vector<128x5xf32> to vector<128x1xf32>
      %slice3A_43 = vector.extract_strided_slice %transpose3A {offsets = [0, 2], sizes = [128, 1], strides = [1, 1]} : vector<128x5xf32> to vector<128x1xf32>
      %slice3A_44 = vector.extract_strided_slice %transpose3A {offsets = [0, 3], sizes = [128, 1], strides = [1, 1]} : vector<128x5xf32> to vector<128x1xf32>
      %slice3A_45 = vector.extract_strided_slice %transpose3A {offsets = [0, 4], sizes = [128, 1], strides = [1, 1]} : vector<128x5xf32> to vector<128x1xf32>
      %jit3A = arith.constant 5 : i32
      %div3A = arith.divsi %scan3A_16, %jit3A : i32
      %sign3A = arith.constant 0 : i32
      %sign3A_46 = arith.cmpi sgt, %scan3A_16, %sign3A : i32
      %sign3A_47 = arith.extui %sign3A_46 : i1 to i32
      %sign3A_48 = arith.constant 0 : i32
      %sign3A_49 = arith.cmpi slt, %scan3A_16, %sign3A_48 : i32
      %sign3A_50 = arith.extui %sign3A_49 : i1 to i32
      %sign3A_51 = arith.subi %sign3A_47, %sign3A_50 : i32
      %sign3A_52 = arith.constant 0 : i32
      %sign3A_53 = arith.cmpi sgt, %jit3A, %sign3A_52 : i32
      %sign3A_54 = arith.extui %sign3A_53 : i1 to i32
      %sign3A_55 = arith.constant 0 : i32
      %sign3A_56 = arith.cmpi slt, %jit3A, %sign3A_55 : i32
      %sign3A_57 = arith.extui %sign3A_56 : i1 to i32
      %sign3A_58 = arith.subi %sign3A_54, %sign3A_57 : i32
      %ne3A = arith.cmpi ne, %sign3A_51, %sign3A_58 : i32
      %rem3A = arith.remsi %scan3A_16, %jit3A : i32
      %ne3A_59 = arith.constant 0 : i32
      %ne3A_60 = arith.cmpi ne, %rem3A, %ne3A_59 : i32
      %and3A = arith.andi %ne3A, %ne3A_60 : i1
      %sub3A_61 = arith.constant 1 : i32
      %sub3A_62 = arith.subi %div3A, %sub3A_61 : i32
      %select_n3A = arith.select %and3A, %sub3A_62, %div3A : i32
      %clamp3A = arith.constant 0 : i32
      %clamp3A_63 = arith.constant 7 : i32
      %clamp3A_64 = arith.maxsi %select_n3A, %clamp3A : i32
      %clamp3A_65 = arith.minsi %clamp3A_64, %clamp3A_63 : i32
      %cond3A = arith.constant 0 : i32
      %cond3A_66 = arith.cmpi ne, %clamp3A_65, %cond3A : i32
      %cond3A_67 = scf.if %cond3A_66 -> (vector<128x1xf32>) {
        %cond3A_146 = arith.constant 1 : i32
        %cond3A_147 = arith.subi %clamp3A_65, %cond3A_146 : i32
        %cond3A_148 = arith.constant 0 : i32
        %cond3A_149 = arith.cmpi ne, %cond3A_147, %cond3A_148 : i32
        %cond3A_150 = scf.if %cond3A_149 -> (vector<128x1xf32>) {
          %cond3A_151 = arith.constant 1 : i32
          %cond3A_152 = arith.subi %cond3A_147, %cond3A_151 : i32
          %cond3A_153 = arith.constant 0 : i32
          %cond3A_154 = arith.cmpi ne, %cond3A_152, %cond3A_153 : i32
          %cond3A_155 = scf.if %cond3A_154 -> (vector<128x1xf32>) {
            %cond3A_156 = arith.constant 1 : i32
            %cond3A_157 = arith.subi %cond3A_152, %cond3A_156 : i32
            %cond3A_158 = arith.constant 0 : i32
            %cond3A_159 = arith.cmpi ne, %cond3A_157, %cond3A_158 : i32
            %cond3A_160 = scf.if %cond3A_159 -> (vector<128x1xf32>) {
              %cond3A_161 = arith.constant 1 : i32
              %cond3A_162 = arith.subi %cond3A_157, %cond3A_161 : i32
              %cond3A_163 = arith.constant 0 : i32
              %cond3A_164 = arith.cmpi ne, %cond3A_162, %cond3A_163 : i32
              %cond3A_165 = scf.if %cond3A_164 -> (vector<128x1xf32>) {
                %cond3A_166 = arith.constant 1 : i32
                %cond3A_167 = arith.subi %cond3A_162, %cond3A_166 : i32
                %cond3A_168 = arith.constant 0 : i32
                %cond3A_169 = arith.cmpi ne, %cond3A_167, %cond3A_168 : i32
                %cond3A_170 = scf.if %cond3A_169 -> (vector<128x1xf32>) {
                  %cond3A_171 = arith.constant 1 : i32
                  %cond3A_172 = arith.subi %cond3A_167, %cond3A_171 : i32
                  %cond3A_173 = arith.constant 0 : i32
                  %cond3A_174 = arith.cmpi ne, %cond3A_172, %cond3A_173 : i32
                  %cond3A_175 = scf.if %cond3A_174 -> (vector<128x1xf32>) {
                    %get3A_176 = arith.constant 0 : index
                    %get3A_177 = arith.constant 0 : index
                    %get3A_178 = vector.load %arg3[%get3A_176, %get3A_177] : memref<8x5120xf32, #tpu.memory_space<vmem>>, vector<1x5120xf32>
                    %get3A_179 = arith.constant 1 : index
                    %get3A_180 = arith.constant 0 : index
                    %get3A_181 = vector.load %arg3[%get3A_179, %get3A_180] : memref<8x5120xf32, #tpu.memory_space<vmem>>, vector<1x5120xf32>
                    %get3A_182 = arith.constant 2 : index
                    %get3A_183 = arith.constant 0 : index
                    %get3A_184 = vector.load %arg3[%get3A_182, %get3A_183] : memref<8x5120xf32, #tpu.memory_space<vmem>>, vector<1x5120xf32>
                    %get3A_185 = arith.constant 3 : index
                    %get3A_186 = arith.constant 0 : index
                    %get3A_187 = vector.load %arg3[%get3A_185, %get3A_186] : memref<8x5120xf32, #tpu.memory_space<vmem>>, vector<1x5120xf32>
                    %get3A_188 = arith.constant 4 : index
                    %get3A_189 = arith.constant 0 : index
                    %get3A_190 = vector.load %arg3[%get3A_188, %get3A_189] : memref<8x5120xf32, #tpu.memory_space<vmem>>, vector<1x5120xf32>
                    %max3A_191 = vector.broadcast %slice3A : vector<128x1xf32> to vector<128x5120xf32>
                    %max3A_192 = vector.broadcast %get3A_178 : vector<1x5120xf32> to vector<128x5120xf32>
                    %max3A_193 = arith.maximumf %max3A_191, %max3A_192 : vector<128x5120xf32>
                    %max3A_194 = vector.broadcast %slice3A_42 : vector<128x1xf32> to vector<128x5120xf32>
                    %max3A_195 = vector.broadcast %get3A_181 : vector<1x5120xf32> to vector<128x5120xf32>
                    %max3A_196 = arith.maximumf %max3A_194, %max3A_195 : vector<128x5120xf32>
                    %min3A_197 = vector.broadcast %slice3A_43 : vector<128x1xf32> to vector<128x5120xf32>
                    %min3A_198 = vector.broadcast %get3A_184 : vector<1x5120xf32> to vector<128x5120xf32>
                    %min3A_199 = arith.minimumf %min3A_197, %min3A_198 : vector<128x5120xf32>
                    %min3A_200 = vector.broadcast %slice3A_44 : vector<128x1xf32> to vector<128x5120xf32>
                    %min3A_201 = vector.broadcast %get3A_187 : vector<1x5120xf32> to vector<128x5120xf32>
                    %min3A_202 = arith.minimumf %min3A_200, %min3A_201 : vector<128x5120xf32>
                    %sub3A_203 = arith.subf %min3A_199, %max3A_193 : vector<128x5120xf32>
                    %max3A_204 = arith.constant 0.000000e+00 : f32
                    %max3A_205 = vector.broadcast %max3A_204 : f32 to vector<128x5120xf32>
                    %max3A_206 = arith.maximumf %sub3A_203, %max3A_205 : vector<128x5120xf32>
                    %sub3A_207 = arith.subf %min3A_202, %max3A_196 : vector<128x5120xf32>
                    %max3A_208 = arith.constant 0.000000e+00 : f32
                    %max3A_209 = vector.broadcast %max3A_208 : f32 to vector<128x5120xf32>
                    %max3A_210 = arith.maximumf %sub3A_207, %max3A_209 : vector<128x5120xf32>
                    %mul3A_211 = arith.mulf %max3A_206, %max3A_210 : vector<128x5120xf32>
                    %add3A_212 = vector.broadcast %slice3A_45 : vector<128x1xf32> to vector<128x5120xf32>
                    %add3A_213 = vector.broadcast %get3A_190 : vector<1x5120xf32> to vector<128x5120xf32>
                    %add3A_214 = arith.addf %add3A_212, %add3A_213 : vector<128x5120xf32>
                    %sub3A_215 = arith.subf %add3A_214, %mul3A_211 : vector<128x5120xf32>
                    %max3A_216 = arith.constant 9.99999971E-10 : f32
                    %max3A_217 = vector.broadcast %max3A_216 : f32 to vector<128x5120xf32>
                    %max3A_218 = arith.maximumf %sub3A_215, %max3A_217 : vector<128x5120xf32>
                    %div3A_219 = arith.divf %mul3A_211, %max3A_218 : vector<128x5120xf32>
                    %gt3A_220 = arith.constant 3.000000e-01 : f32
                    %gt3A_221 = vector.broadcast %gt3A_220 : f32 to vector<128x5120xf32>
                    %gt3A_222 = arith.cmpf ogt, %div3A_219, %gt3A_221 : vector<128x5120xf32>
                    %jit3A_223 = arith.constant 1.000000e+00 : f32
                    %jit3A_224 = arith.constant 0.000000e+00 : f32
                    %broadcast_in_dim3A_225 = vector.broadcast %jit3A_223 : f32 to vector<128x5120xf32>
                    %broadcast_in_dim3A_226 = vector.broadcast %jit3A_224 : f32 to vector<128x5120xf32>
                    %select_n3A_227 = arith.select %gt3A_222, %broadcast_in_dim3A_225, %broadcast_in_dim3A_226 : vector<128x5120xi1>, vector<128x5120xf32>
                    %reduce_max3A = arith.constant dense<0xFF800000> : vector<128xf32>
                    %reduce_max3A_228 = vector.multi_reduction <maximumf>, %select_n3A_227, %reduce_max3A [1] : vector<128x5120xf32> to vector<128xf32>
                    %broadcast_in_dim3A_229 = vector.shape_cast %reduce_max3A_228 : vector<128xf32> to vector<128x1xf32>
                    scf.yield %broadcast_in_dim3A_229 : vector<128x1xf32>
                  } else {
                    %get3A_176 = arith.constant 0 : index
                    %get3A_177 = arith.constant 0 : index
                    %get3A_178 = vector.load %arg3[%get3A_176, %get3A_177] : memref<8x5120xf32, #tpu.memory_space<vmem>>, vector<1x4480xf32>
                    %get3A_179 = arith.constant 1 : index
                    %get3A_180 = arith.constant 0 : index
                    %get3A_181 = vector.load %arg3[%get3A_179, %get3A_180] : memref<8x5120xf32, #tpu.memory_space<vmem>>, vector<1x4480xf32>
                    %get3A_182 = arith.constant 2 : index
                    %get3A_183 = arith.constant 0 : index
                    %get3A_184 = vector.load %arg3[%get3A_182, %get3A_183] : memref<8x5120xf32, #tpu.memory_space<vmem>>, vector<1x4480xf32>
                    %get3A_185 = arith.constant 3 : index
                    %get3A_186 = arith.constant 0 : index
                    %get3A_187 = vector.load %arg3[%get3A_185, %get3A_186] : memref<8x5120xf32, #tpu.memory_space<vmem>>, vector<1x4480xf32>
                    %get3A_188 = arith.constant 4 : index
                    %get3A_189 = arith.constant 0 : index
                    %get3A_190 = vector.load %arg3[%get3A_188, %get3A_189] : memref<8x5120xf32, #tpu.memory_space<vmem>>, vector<1x4480xf32>
                    %max3A_191 = vector.broadcast %slice3A : vector<128x1xf32> to vector<128x4480xf32>
                    %max3A_192 = vector.broadcast %get3A_178 : vector<1x4480xf32> to vector<128x4480xf32>
                    %max3A_193 = arith.maximumf %max3A_191, %max3A_192 : vector<128x4480xf32>
                    %max3A_194 = vector.broadcast %slice3A_42 : vector<128x1xf32> to vector<128x4480xf32>
                    %max3A_195 = vector.broadcast %get3A_181 : vector<1x4480xf32> to vector<128x4480xf32>
                    %max3A_196 = arith.maximumf %max3A_194, %max3A_195 : vector<128x4480xf32>
                    %min3A_197 = vector.broadcast %slice3A_43 : vector<128x1xf32> to vector<128x4480xf32>
                    %min3A_198 = vector.broadcast %get3A_184 : vector<1x4480xf32> to vector<128x4480xf32>
                    %min3A_199 = arith.minimumf %min3A_197, %min3A_198 : vector<128x4480xf32>
                    %min3A_200 = vector.broadcast %slice3A_44 : vector<128x1xf32> to vector<128x4480xf32>
                    %min3A_201 = vector.broadcast %get3A_187 : vector<1x4480xf32> to vector<128x4480xf32>
                    %min3A_202 = arith.minimumf %min3A_200, %min3A_201 : vector<128x4480xf32>
                    %sub3A_203 = arith.subf %min3A_199, %max3A_193 : vector<128x4480xf32>
                    %max3A_204 = arith.constant 0.000000e+00 : f32
                    %max3A_205 = vector.broadcast %max3A_204 : f32 to vector<128x4480xf32>
                    %max3A_206 = arith.maximumf %sub3A_203, %max3A_205 : vector<128x4480xf32>
                    %sub3A_207 = arith.subf %min3A_202, %max3A_196 : vector<128x4480xf32>
                    %max3A_208 = arith.constant 0.000000e+00 : f32
                    %max3A_209 = vector.broadcast %max3A_208 : f32 to vector<128x4480xf32>
                    %max3A_210 = arith.maximumf %sub3A_207, %max3A_209 : vector<128x4480xf32>
                    %mul3A_211 = arith.mulf %max3A_206, %max3A_210 : vector<128x4480xf32>
                    %add3A_212 = vector.broadcast %slice3A_45 : vector<128x1xf32> to vector<128x4480xf32>
                    %add3A_213 = vector.broadcast %get3A_190 : vector<1x4480xf32> to vector<128x4480xf32>
                    %add3A_214 = arith.addf %add3A_212, %add3A_213 : vector<128x4480xf32>
                    %sub3A_215 = arith.subf %add3A_214, %mul3A_211 : vector<128x4480xf32>
                    %max3A_216 = arith.constant 9.99999971E-10 : f32
                    %max3A_217 = vector.broadcast %max3A_216 : f32 to vector<128x4480xf32>
                    %max3A_218 = arith.maximumf %sub3A_215, %max3A_217 : vector<128x4480xf32>
                    %div3A_219 = arith.divf %mul3A_211, %max3A_218 : vector<128x4480xf32>
                    %gt3A_220 = arith.constant 3.000000e-01 : f32
                    %gt3A_221 = vector.broadcast %gt3A_220 : f32 to vector<128x4480xf32>
                    %gt3A_222 = arith.cmpf ogt, %div3A_219, %gt3A_221 : vector<128x4480xf32>
                    %jit3A_223 = arith.constant 1.000000e+00 : f32
                    %jit3A_224 = arith.constant 0.000000e+00 : f32
                    %broadcast_in_dim3A_225 = vector.broadcast %jit3A_223 : f32 to vector<128x4480xf32>
                    %broadcast_in_dim3A_226 = vector.broadcast %jit3A_224 : f32 to vector<128x4480xf32>
                    %select_n3A_227 = arith.select %gt3A_222, %broadcast_in_dim3A_225, %broadcast_in_dim3A_226 : vector<128x4480xi1>, vector<128x4480xf32>
                    %reduce_max3A = arith.constant dense<0xFF800000> : vector<128xf32>
                    %reduce_max3A_228 = vector.multi_reduction <maximumf>, %select_n3A_227, %reduce_max3A [1] : vector<128x4480xf32> to vector<128xf32>
                    %broadcast_in_dim3A_229 = vector.shape_cast %reduce_max3A_228 : vector<128xf32> to vector<128x1xf32>
                    scf.yield %broadcast_in_dim3A_229 : vector<128x1xf32>
                  }
                  scf.yield %cond3A_175 : vector<128x1xf32>
                } else {
                  %get3A_171 = arith.constant 0 : index
                  %get3A_172 = arith.constant 0 : index
                  %get3A_173 = vector.load %arg3[%get3A_171, %get3A_172] : memref<8x5120xf32, #tpu.memory_space<vmem>>, vector<1x3840xf32>
                  %get3A_174 = arith.constant 1 : index
                  %get3A_175 = arith.constant 0 : index
                  %get3A_176 = vector.load %arg3[%get3A_174, %get3A_175] : memref<8x5120xf32, #tpu.memory_space<vmem>>, vector<1x3840xf32>
                  %get3A_177 = arith.constant 2 : index
                  %get3A_178 = arith.constant 0 : index
                  %get3A_179 = vector.load %arg3[%get3A_177, %get3A_178] : memref<8x5120xf32, #tpu.memory_space<vmem>>, vector<1x3840xf32>
                  %get3A_180 = arith.constant 3 : index
                  %get3A_181 = arith.constant 0 : index
                  %get3A_182 = vector.load %arg3[%get3A_180, %get3A_181] : memref<8x5120xf32, #tpu.memory_space<vmem>>, vector<1x3840xf32>
                  %get3A_183 = arith.constant 4 : index
                  %get3A_184 = arith.constant 0 : index
                  %get3A_185 = vector.load %arg3[%get3A_183, %get3A_184] : memref<8x5120xf32, #tpu.memory_space<vmem>>, vector<1x3840xf32>
                  %max3A_186 = vector.broadcast %slice3A : vector<128x1xf32> to vector<128x3840xf32>
                  %max3A_187 = vector.broadcast %get3A_173 : vector<1x3840xf32> to vector<128x3840xf32>
                  %max3A_188 = arith.maximumf %max3A_186, %max3A_187 : vector<128x3840xf32>
                  %max3A_189 = vector.broadcast %slice3A_42 : vector<128x1xf32> to vector<128x3840xf32>
                  %max3A_190 = vector.broadcast %get3A_176 : vector<1x3840xf32> to vector<128x3840xf32>
                  %max3A_191 = arith.maximumf %max3A_189, %max3A_190 : vector<128x3840xf32>
                  %min3A_192 = vector.broadcast %slice3A_43 : vector<128x1xf32> to vector<128x3840xf32>
                  %min3A_193 = vector.broadcast %get3A_179 : vector<1x3840xf32> to vector<128x3840xf32>
                  %min3A_194 = arith.minimumf %min3A_192, %min3A_193 : vector<128x3840xf32>
                  %min3A_195 = vector.broadcast %slice3A_44 : vector<128x1xf32> to vector<128x3840xf32>
                  %min3A_196 = vector.broadcast %get3A_182 : vector<1x3840xf32> to vector<128x3840xf32>
                  %min3A_197 = arith.minimumf %min3A_195, %min3A_196 : vector<128x3840xf32>
                  %sub3A_198 = arith.subf %min3A_194, %max3A_188 : vector<128x3840xf32>
                  %max3A_199 = arith.constant 0.000000e+00 : f32
                  %max3A_200 = vector.broadcast %max3A_199 : f32 to vector<128x3840xf32>
                  %max3A_201 = arith.maximumf %sub3A_198, %max3A_200 : vector<128x3840xf32>
                  %sub3A_202 = arith.subf %min3A_197, %max3A_191 : vector<128x3840xf32>
                  %max3A_203 = arith.constant 0.000000e+00 : f32
                  %max3A_204 = vector.broadcast %max3A_203 : f32 to vector<128x3840xf32>
                  %max3A_205 = arith.maximumf %sub3A_202, %max3A_204 : vector<128x3840xf32>
                  %mul3A_206 = arith.mulf %max3A_201, %max3A_205 : vector<128x3840xf32>
                  %add3A_207 = vector.broadcast %slice3A_45 : vector<128x1xf32> to vector<128x3840xf32>
                  %add3A_208 = vector.broadcast %get3A_185 : vector<1x3840xf32> to vector<128x3840xf32>
                  %add3A_209 = arith.addf %add3A_207, %add3A_208 : vector<128x3840xf32>
                  %sub3A_210 = arith.subf %add3A_209, %mul3A_206 : vector<128x3840xf32>
                  %max3A_211 = arith.constant 9.99999971E-10 : f32
                  %max3A_212 = vector.broadcast %max3A_211 : f32 to vector<128x3840xf32>
                  %max3A_213 = arith.maximumf %sub3A_210, %max3A_212 : vector<128x3840xf32>
                  %div3A_214 = arith.divf %mul3A_206, %max3A_213 : vector<128x3840xf32>
                  %gt3A_215 = arith.constant 3.000000e-01 : f32
                  %gt3A_216 = vector.broadcast %gt3A_215 : f32 to vector<128x3840xf32>
                  %gt3A_217 = arith.cmpf ogt, %div3A_214, %gt3A_216 : vector<128x3840xf32>
                  %jit3A_218 = arith.constant 1.000000e+00 : f32
                  %jit3A_219 = arith.constant 0.000000e+00 : f32
                  %broadcast_in_dim3A_220 = vector.broadcast %jit3A_218 : f32 to vector<128x3840xf32>
                  %broadcast_in_dim3A_221 = vector.broadcast %jit3A_219 : f32 to vector<128x3840xf32>
                  %select_n3A_222 = arith.select %gt3A_217, %broadcast_in_dim3A_220, %broadcast_in_dim3A_221 : vector<128x3840xi1>, vector<128x3840xf32>
                  %reduce_max3A = arith.constant dense<0xFF800000> : vector<128xf32>
                  %reduce_max3A_223 = vector.multi_reduction <maximumf>, %select_n3A_222, %reduce_max3A [1] : vector<128x3840xf32> to vector<128xf32>
                  %broadcast_in_dim3A_224 = vector.shape_cast %reduce_max3A_223 : vector<128xf32> to vector<128x1xf32>
                  scf.yield %broadcast_in_dim3A_224 : vector<128x1xf32>
                }
                scf.yield %cond3A_170 : vector<128x1xf32>
              } else {
                %get3A_166 = arith.constant 0 : index
                %get3A_167 = arith.constant 0 : index
                %get3A_168 = vector.load %arg3[%get3A_166, %get3A_167] : memref<8x5120xf32, #tpu.memory_space<vmem>>, vector<1x3200xf32>
                %get3A_169 = arith.constant 1 : index
                %get3A_170 = arith.constant 0 : index
                %get3A_171 = vector.load %arg3[%get3A_169, %get3A_170] : memref<8x5120xf32, #tpu.memory_space<vmem>>, vector<1x3200xf32>
                %get3A_172 = arith.constant 2 : index
                %get3A_173 = arith.constant 0 : index
                %get3A_174 = vector.load %arg3[%get3A_172, %get3A_173] : memref<8x5120xf32, #tpu.memory_space<vmem>>, vector<1x3200xf32>
                %get3A_175 = arith.constant 3 : index
                %get3A_176 = arith.constant 0 : index
                %get3A_177 = vector.load %arg3[%get3A_175, %get3A_176] : memref<8x5120xf32, #tpu.memory_space<vmem>>, vector<1x3200xf32>
                %get3A_178 = arith.constant 4 : index
                %get3A_179 = arith.constant 0 : index
                %get3A_180 = vector.load %arg3[%get3A_178, %get3A_179] : memref<8x5120xf32, #tpu.memory_space<vmem>>, vector<1x3200xf32>
                %max3A_181 = vector.broadcast %slice3A : vector<128x1xf32> to vector<128x3200xf32>
                %max3A_182 = vector.broadcast %get3A_168 : vector<1x3200xf32> to vector<128x3200xf32>
                %max3A_183 = arith.maximumf %max3A_181, %max3A_182 : vector<128x3200xf32>
                %max3A_184 = vector.broadcast %slice3A_42 : vector<128x1xf32> to vector<128x3200xf32>
                %max3A_185 = vector.broadcast %get3A_171 : vector<1x3200xf32> to vector<128x3200xf32>
                %max3A_186 = arith.maximumf %max3A_184, %max3A_185 : vector<128x3200xf32>
                %min3A_187 = vector.broadcast %slice3A_43 : vector<128x1xf32> to vector<128x3200xf32>
                %min3A_188 = vector.broadcast %get3A_174 : vector<1x3200xf32> to vector<128x3200xf32>
                %min3A_189 = arith.minimumf %min3A_187, %min3A_188 : vector<128x3200xf32>
                %min3A_190 = vector.broadcast %slice3A_44 : vector<128x1xf32> to vector<128x3200xf32>
                %min3A_191 = vector.broadcast %get3A_177 : vector<1x3200xf32> to vector<128x3200xf32>
                %min3A_192 = arith.minimumf %min3A_190, %min3A_191 : vector<128x3200xf32>
                %sub3A_193 = arith.subf %min3A_189, %max3A_183 : vector<128x3200xf32>
                %max3A_194 = arith.constant 0.000000e+00 : f32
                %max3A_195 = vector.broadcast %max3A_194 : f32 to vector<128x3200xf32>
                %max3A_196 = arith.maximumf %sub3A_193, %max3A_195 : vector<128x3200xf32>
                %sub3A_197 = arith.subf %min3A_192, %max3A_186 : vector<128x3200xf32>
                %max3A_198 = arith.constant 0.000000e+00 : f32
                %max3A_199 = vector.broadcast %max3A_198 : f32 to vector<128x3200xf32>
                %max3A_200 = arith.maximumf %sub3A_197, %max3A_199 : vector<128x3200xf32>
                %mul3A_201 = arith.mulf %max3A_196, %max3A_200 : vector<128x3200xf32>
                %add3A_202 = vector.broadcast %slice3A_45 : vector<128x1xf32> to vector<128x3200xf32>
                %add3A_203 = vector.broadcast %get3A_180 : vector<1x3200xf32> to vector<128x3200xf32>
                %add3A_204 = arith.addf %add3A_202, %add3A_203 : vector<128x3200xf32>
                %sub3A_205 = arith.subf %add3A_204, %mul3A_201 : vector<128x3200xf32>
                %max3A_206 = arith.constant 9.99999971E-10 : f32
                %max3A_207 = vector.broadcast %max3A_206 : f32 to vector<128x3200xf32>
                %max3A_208 = arith.maximumf %sub3A_205, %max3A_207 : vector<128x3200xf32>
                %div3A_209 = arith.divf %mul3A_201, %max3A_208 : vector<128x3200xf32>
                %gt3A_210 = arith.constant 3.000000e-01 : f32
                %gt3A_211 = vector.broadcast %gt3A_210 : f32 to vector<128x3200xf32>
                %gt3A_212 = arith.cmpf ogt, %div3A_209, %gt3A_211 : vector<128x3200xf32>
                %jit3A_213 = arith.constant 1.000000e+00 : f32
                %jit3A_214 = arith.constant 0.000000e+00 : f32
                %broadcast_in_dim3A_215 = vector.broadcast %jit3A_213 : f32 to vector<128x3200xf32>
                %broadcast_in_dim3A_216 = vector.broadcast %jit3A_214 : f32 to vector<128x3200xf32>
                %select_n3A_217 = arith.select %gt3A_212, %broadcast_in_dim3A_215, %broadcast_in_dim3A_216 : vector<128x3200xi1>, vector<128x3200xf32>
                %reduce_max3A = arith.constant dense<0xFF800000> : vector<128xf32>
                %reduce_max3A_218 = vector.multi_reduction <maximumf>, %select_n3A_217, %reduce_max3A [1] : vector<128x3200xf32> to vector<128xf32>
                %broadcast_in_dim3A_219 = vector.shape_cast %reduce_max3A_218 : vector<128xf32> to vector<128x1xf32>
                scf.yield %broadcast_in_dim3A_219 : vector<128x1xf32>
              }
              scf.yield %cond3A_165 : vector<128x1xf32>
            } else {
              %get3A_161 = arith.constant 0 : index
              %get3A_162 = arith.constant 0 : index
              %get3A_163 = vector.load %arg3[%get3A_161, %get3A_162] : memref<8x5120xf32, #tpu.memory_space<vmem>>, vector<1x2560xf32>
              %get3A_164 = arith.constant 1 : index
              %get3A_165 = arith.constant 0 : index
              %get3A_166 = vector.load %arg3[%get3A_164, %get3A_165] : memref<8x5120xf32, #tpu.memory_space<vmem>>, vector<1x2560xf32>
              %get3A_167 = arith.constant 2 : index
              %get3A_168 = arith.constant 0 : index
              %get3A_169 = vector.load %arg3[%get3A_167, %get3A_168] : memref<8x5120xf32, #tpu.memory_space<vmem>>, vector<1x2560xf32>
              %get3A_170 = arith.constant 3 : index
              %get3A_171 = arith.constant 0 : index
              %get3A_172 = vector.load %arg3[%get3A_170, %get3A_171] : memref<8x5120xf32, #tpu.memory_space<vmem>>, vector<1x2560xf32>
              %get3A_173 = arith.constant 4 : index
              %get3A_174 = arith.constant 0 : index
              %get3A_175 = vector.load %arg3[%get3A_173, %get3A_174] : memref<8x5120xf32, #tpu.memory_space<vmem>>, vector<1x2560xf32>
              %max3A_176 = vector.broadcast %slice3A : vector<128x1xf32> to vector<128x2560xf32>
              %max3A_177 = vector.broadcast %get3A_163 : vector<1x2560xf32> to vector<128x2560xf32>
              %max3A_178 = arith.maximumf %max3A_176, %max3A_177 : vector<128x2560xf32>
              %max3A_179 = vector.broadcast %slice3A_42 : vector<128x1xf32> to vector<128x2560xf32>
              %max3A_180 = vector.broadcast %get3A_166 : vector<1x2560xf32> to vector<128x2560xf32>
              %max3A_181 = arith.maximumf %max3A_179, %max3A_180 : vector<128x2560xf32>
              %min3A_182 = vector.broadcast %slice3A_43 : vector<128x1xf32> to vector<128x2560xf32>
              %min3A_183 = vector.broadcast %get3A_169 : vector<1x2560xf32> to vector<128x2560xf32>
              %min3A_184 = arith.minimumf %min3A_182, %min3A_183 : vector<128x2560xf32>
              %min3A_185 = vector.broadcast %slice3A_44 : vector<128x1xf32> to vector<128x2560xf32>
              %min3A_186 = vector.broadcast %get3A_172 : vector<1x2560xf32> to vector<128x2560xf32>
              %min3A_187 = arith.minimumf %min3A_185, %min3A_186 : vector<128x2560xf32>
              %sub3A_188 = arith.subf %min3A_184, %max3A_178 : vector<128x2560xf32>
              %max3A_189 = arith.constant 0.000000e+00 : f32
              %max3A_190 = vector.broadcast %max3A_189 : f32 to vector<128x2560xf32>
              %max3A_191 = arith.maximumf %sub3A_188, %max3A_190 : vector<128x2560xf32>
              %sub3A_192 = arith.subf %min3A_187, %max3A_181 : vector<128x2560xf32>
              %max3A_193 = arith.constant 0.000000e+00 : f32
              %max3A_194 = vector.broadcast %max3A_193 : f32 to vector<128x2560xf32>
              %max3A_195 = arith.maximumf %sub3A_192, %max3A_194 : vector<128x2560xf32>
              %mul3A_196 = arith.mulf %max3A_191, %max3A_195 : vector<128x2560xf32>
              %add3A_197 = vector.broadcast %slice3A_45 : vector<128x1xf32> to vector<128x2560xf32>
              %add3A_198 = vector.broadcast %get3A_175 : vector<1x2560xf32> to vector<128x2560xf32>
              %add3A_199 = arith.addf %add3A_197, %add3A_198 : vector<128x2560xf32>
              %sub3A_200 = arith.subf %add3A_199, %mul3A_196 : vector<128x2560xf32>
              %max3A_201 = arith.constant 9.99999971E-10 : f32
              %max3A_202 = vector.broadcast %max3A_201 : f32 to vector<128x2560xf32>
              %max3A_203 = arith.maximumf %sub3A_200, %max3A_202 : vector<128x2560xf32>
              %div3A_204 = arith.divf %mul3A_196, %max3A_203 : vector<128x2560xf32>
              %gt3A_205 = arith.constant 3.000000e-01 : f32
              %gt3A_206 = vector.broadcast %gt3A_205 : f32 to vector<128x2560xf32>
              %gt3A_207 = arith.cmpf ogt, %div3A_204, %gt3A_206 : vector<128x2560xf32>
              %jit3A_208 = arith.constant 1.000000e+00 : f32
              %jit3A_209 = arith.constant 0.000000e+00 : f32
              %broadcast_in_dim3A_210 = vector.broadcast %jit3A_208 : f32 to vector<128x2560xf32>
              %broadcast_in_dim3A_211 = vector.broadcast %jit3A_209 : f32 to vector<128x2560xf32>
              %select_n3A_212 = arith.select %gt3A_207, %broadcast_in_dim3A_210, %broadcast_in_dim3A_211 : vector<128x2560xi1>, vector<128x2560xf32>
              %reduce_max3A = arith.constant dense<0xFF800000> : vector<128xf32>
              %reduce_max3A_213 = vector.multi_reduction <maximumf>, %select_n3A_212, %reduce_max3A [1] : vector<128x2560xf32> to vector<128xf32>
              %broadcast_in_dim3A_214 = vector.shape_cast %reduce_max3A_213 : vector<128xf32> to vector<128x1xf32>
              scf.yield %broadcast_in_dim3A_214 : vector<128x1xf32>
            }
            scf.yield %cond3A_160 : vector<128x1xf32>
          } else {
            %get3A_156 = arith.constant 0 : index
            %get3A_157 = arith.constant 0 : index
            %get3A_158 = vector.load %arg3[%get3A_156, %get3A_157] : memref<8x5120xf32, #tpu.memory_space<vmem>>, vector<1x1920xf32>
            %get3A_159 = arith.constant 1 : index
            %get3A_160 = arith.constant 0 : index
            %get3A_161 = vector.load %arg3[%get3A_159, %get3A_160] : memref<8x5120xf32, #tpu.memory_space<vmem>>, vector<1x1920xf32>
            %get3A_162 = arith.constant 2 : index
            %get3A_163 = arith.constant 0 : index
            %get3A_164 = vector.load %arg3[%get3A_162, %get3A_163] : memref<8x5120xf32, #tpu.memory_space<vmem>>, vector<1x1920xf32>
            %get3A_165 = arith.constant 3 : index
            %get3A_166 = arith.constant 0 : index
            %get3A_167 = vector.load %arg3[%get3A_165, %get3A_166] : memref<8x5120xf32, #tpu.memory_space<vmem>>, vector<1x1920xf32>
            %get3A_168 = arith.constant 4 : index
            %get3A_169 = arith.constant 0 : index
            %get3A_170 = vector.load %arg3[%get3A_168, %get3A_169] : memref<8x5120xf32, #tpu.memory_space<vmem>>, vector<1x1920xf32>
            %max3A_171 = vector.broadcast %slice3A : vector<128x1xf32> to vector<128x1920xf32>
            %max3A_172 = vector.broadcast %get3A_158 : vector<1x1920xf32> to vector<128x1920xf32>
            %max3A_173 = arith.maximumf %max3A_171, %max3A_172 : vector<128x1920xf32>
            %max3A_174 = vector.broadcast %slice3A_42 : vector<128x1xf32> to vector<128x1920xf32>
            %max3A_175 = vector.broadcast %get3A_161 : vector<1x1920xf32> to vector<128x1920xf32>
            %max3A_176 = arith.maximumf %max3A_174, %max3A_175 : vector<128x1920xf32>
            %min3A_177 = vector.broadcast %slice3A_43 : vector<128x1xf32> to vector<128x1920xf32>
            %min3A_178 = vector.broadcast %get3A_164 : vector<1x1920xf32> to vector<128x1920xf32>
            %min3A_179 = arith.minimumf %min3A_177, %min3A_178 : vector<128x1920xf32>
            %min3A_180 = vector.broadcast %slice3A_44 : vector<128x1xf32> to vector<128x1920xf32>
            %min3A_181 = vector.broadcast %get3A_167 : vector<1x1920xf32> to vector<128x1920xf32>
            %min3A_182 = arith.minimumf %min3A_180, %min3A_181 : vector<128x1920xf32>
            %sub3A_183 = arith.subf %min3A_179, %max3A_173 : vector<128x1920xf32>
            %max3A_184 = arith.constant 0.000000e+00 : f32
            %max3A_185 = vector.broadcast %max3A_184 : f32 to vector<128x1920xf32>
            %max3A_186 = arith.maximumf %sub3A_183, %max3A_185 : vector<128x1920xf32>
            %sub3A_187 = arith.subf %min3A_182, %max3A_176 : vector<128x1920xf32>
            %max3A_188 = arith.constant 0.000000e+00 : f32
            %max3A_189 = vector.broadcast %max3A_188 : f32 to vector<128x1920xf32>
            %max3A_190 = arith.maximumf %sub3A_187, %max3A_189 : vector<128x1920xf32>
            %mul3A_191 = arith.mulf %max3A_186, %max3A_190 : vector<128x1920xf32>
            %add3A_192 = vector.broadcast %slice3A_45 : vector<128x1xf32> to vector<128x1920xf32>
            %add3A_193 = vector.broadcast %get3A_170 : vector<1x1920xf32> to vector<128x1920xf32>
            %add3A_194 = arith.addf %add3A_192, %add3A_193 : vector<128x1920xf32>
            %sub3A_195 = arith.subf %add3A_194, %mul3A_191 : vector<128x1920xf32>
            %max3A_196 = arith.constant 9.99999971E-10 : f32
            %max3A_197 = vector.broadcast %max3A_196 : f32 to vector<128x1920xf32>
            %max3A_198 = arith.maximumf %sub3A_195, %max3A_197 : vector<128x1920xf32>
            %div3A_199 = arith.divf %mul3A_191, %max3A_198 : vector<128x1920xf32>
            %gt3A_200 = arith.constant 3.000000e-01 : f32
            %gt3A_201 = vector.broadcast %gt3A_200 : f32 to vector<128x1920xf32>
            %gt3A_202 = arith.cmpf ogt, %div3A_199, %gt3A_201 : vector<128x1920xf32>
            %jit3A_203 = arith.constant 1.000000e+00 : f32
            %jit3A_204 = arith.constant 0.000000e+00 : f32
            %broadcast_in_dim3A_205 = vector.broadcast %jit3A_203 : f32 to vector<128x1920xf32>
            %broadcast_in_dim3A_206 = vector.broadcast %jit3A_204 : f32 to vector<128x1920xf32>
            %select_n3A_207 = arith.select %gt3A_202, %broadcast_in_dim3A_205, %broadcast_in_dim3A_206 : vector<128x1920xi1>, vector<128x1920xf32>
            %reduce_max3A = arith.constant dense<0xFF800000> : vector<128xf32>
            %reduce_max3A_208 = vector.multi_reduction <maximumf>, %select_n3A_207, %reduce_max3A [1] : vector<128x1920xf32> to vector<128xf32>
            %broadcast_in_dim3A_209 = vector.shape_cast %reduce_max3A_208 : vector<128xf32> to vector<128x1xf32>
            scf.yield %broadcast_in_dim3A_209 : vector<128x1xf32>
          }
          scf.yield %cond3A_155 : vector<128x1xf32>
        } else {
          %get3A_151 = arith.constant 0 : index
          %get3A_152 = arith.constant 0 : index
          %get3A_153 = vector.load %arg3[%get3A_151, %get3A_152] : memref<8x5120xf32, #tpu.memory_space<vmem>>, vector<1x1280xf32>
          %get3A_154 = arith.constant 1 : index
          %get3A_155 = arith.constant 0 : index
          %get3A_156 = vector.load %arg3[%get3A_154, %get3A_155] : memref<8x5120xf32, #tpu.memory_space<vmem>>, vector<1x1280xf32>
          %get3A_157 = arith.constant 2 : index
          %get3A_158 = arith.constant 0 : index
          %get3A_159 = vector.load %arg3[%get3A_157, %get3A_158] : memref<8x5120xf32, #tpu.memory_space<vmem>>, vector<1x1280xf32>
          %get3A_160 = arith.constant 3 : index
          %get3A_161 = arith.constant 0 : index
          %get3A_162 = vector.load %arg3[%get3A_160, %get3A_161] : memref<8x5120xf32, #tpu.memory_space<vmem>>, vector<1x1280xf32>
          %get3A_163 = arith.constant 4 : index
          %get3A_164 = arith.constant 0 : index
          %get3A_165 = vector.load %arg3[%get3A_163, %get3A_164] : memref<8x5120xf32, #tpu.memory_space<vmem>>, vector<1x1280xf32>
          %max3A_166 = vector.broadcast %slice3A : vector<128x1xf32> to vector<128x1280xf32>
          %max3A_167 = vector.broadcast %get3A_153 : vector<1x1280xf32> to vector<128x1280xf32>
          %max3A_168 = arith.maximumf %max3A_166, %max3A_167 : vector<128x1280xf32>
          %max3A_169 = vector.broadcast %slice3A_42 : vector<128x1xf32> to vector<128x1280xf32>
          %max3A_170 = vector.broadcast %get3A_156 : vector<1x1280xf32> to vector<128x1280xf32>
          %max3A_171 = arith.maximumf %max3A_169, %max3A_170 : vector<128x1280xf32>
          %min3A_172 = vector.broadcast %slice3A_43 : vector<128x1xf32> to vector<128x1280xf32>
          %min3A_173 = vector.broadcast %get3A_159 : vector<1x1280xf32> to vector<128x1280xf32>
          %min3A_174 = arith.minimumf %min3A_172, %min3A_173 : vector<128x1280xf32>
          %min3A_175 = vector.broadcast %slice3A_44 : vector<128x1xf32> to vector<128x1280xf32>
          %min3A_176 = vector.broadcast %get3A_162 : vector<1x1280xf32> to vector<128x1280xf32>
          %min3A_177 = arith.minimumf %min3A_175, %min3A_176 : vector<128x1280xf32>
          %sub3A_178 = arith.subf %min3A_174, %max3A_168 : vector<128x1280xf32>
          %max3A_179 = arith.constant 0.000000e+00 : f32
          %max3A_180 = vector.broadcast %max3A_179 : f32 to vector<128x1280xf32>
          %max3A_181 = arith.maximumf %sub3A_178, %max3A_180 : vector<128x1280xf32>
          %sub3A_182 = arith.subf %min3A_177, %max3A_171 : vector<128x1280xf32>
          %max3A_183 = arith.constant 0.000000e+00 : f32
          %max3A_184 = vector.broadcast %max3A_183 : f32 to vector<128x1280xf32>
          %max3A_185 = arith.maximumf %sub3A_182, %max3A_184 : vector<128x1280xf32>
          %mul3A_186 = arith.mulf %max3A_181, %max3A_185 : vector<128x1280xf32>
          %add3A_187 = vector.broadcast %slice3A_45 : vector<128x1xf32> to vector<128x1280xf32>
          %add3A_188 = vector.broadcast %get3A_165 : vector<1x1280xf32> to vector<128x1280xf32>
          %add3A_189 = arith.addf %add3A_187, %add3A_188 : vector<128x1280xf32>
          %sub3A_190 = arith.subf %add3A_189, %mul3A_186 : vector<128x1280xf32>
          %max3A_191 = arith.constant 9.99999971E-10 : f32
          %max3A_192 = vector.broadcast %max3A_191 : f32 to vector<128x1280xf32>
          %max3A_193 = arith.maximumf %sub3A_190, %max3A_192 : vector<128x1280xf32>
          %div3A_194 = arith.divf %mul3A_186, %max3A_193 : vector<128x1280xf32>
          %gt3A_195 = arith.constant 3.000000e-01 : f32
          %gt3A_196 = vector.broadcast %gt3A_195 : f32 to vector<128x1280xf32>
          %gt3A_197 = arith.cmpf ogt, %div3A_194, %gt3A_196 : vector<128x1280xf32>
          %jit3A_198 = arith.constant 1.000000e+00 : f32
          %jit3A_199 = arith.constant 0.000000e+00 : f32
          %broadcast_in_dim3A_200 = vector.broadcast %jit3A_198 : f32 to vector<128x1280xf32>
          %broadcast_in_dim3A_201 = vector.broadcast %jit3A_199 : f32 to vector<128x1280xf32>
          %select_n3A_202 = arith.select %gt3A_197, %broadcast_in_dim3A_200, %broadcast_in_dim3A_201 : vector<128x1280xi1>, vector<128x1280xf32>
          %reduce_max3A = arith.constant dense<0xFF800000> : vector<128xf32>
          %reduce_max3A_203 = vector.multi_reduction <maximumf>, %select_n3A_202, %reduce_max3A [1] : vector<128x1280xf32> to vector<128xf32>
          %broadcast_in_dim3A_204 = vector.shape_cast %reduce_max3A_203 : vector<128xf32> to vector<128x1xf32>
          scf.yield %broadcast_in_dim3A_204 : vector<128x1xf32>
        }
        scf.yield %cond3A_150 : vector<128x1xf32>
      } else {
        %get3A_146 = arith.constant 0 : index
        %get3A_147 = arith.constant 0 : index
        %get3A_148 = vector.load %arg3[%get3A_146, %get3A_147] : memref<8x5120xf32, #tpu.memory_space<vmem>>, vector<1x640xf32>
        %get3A_149 = arith.constant 1 : index
        %get3A_150 = arith.constant 0 : index
        %get3A_151 = vector.load %arg3[%get3A_149, %get3A_150] : memref<8x5120xf32, #tpu.memory_space<vmem>>, vector<1x640xf32>
        %get3A_152 = arith.constant 2 : index
        %get3A_153 = arith.constant 0 : index
        %get3A_154 = vector.load %arg3[%get3A_152, %get3A_153] : memref<8x5120xf32, #tpu.memory_space<vmem>>, vector<1x640xf32>
        %get3A_155 = arith.constant 3 : index
        %get3A_156 = arith.constant 0 : index
        %get3A_157 = vector.load %arg3[%get3A_155, %get3A_156] : memref<8x5120xf32, #tpu.memory_space<vmem>>, vector<1x640xf32>
        %get3A_158 = arith.constant 4 : index
        %get3A_159 = arith.constant 0 : index
        %get3A_160 = vector.load %arg3[%get3A_158, %get3A_159] : memref<8x5120xf32, #tpu.memory_space<vmem>>, vector<1x640xf32>
        %max3A_161 = vector.broadcast %slice3A : vector<128x1xf32> to vector<128x640xf32>
        %max3A_162 = vector.broadcast %get3A_148 : vector<1x640xf32> to vector<128x640xf32>
        %max3A_163 = arith.maximumf %max3A_161, %max3A_162 : vector<128x640xf32>
        %max3A_164 = vector.broadcast %slice3A_42 : vector<128x1xf32> to vector<128x640xf32>
        %max3A_165 = vector.broadcast %get3A_151 : vector<1x640xf32> to vector<128x640xf32>
        %max3A_166 = arith.maximumf %max3A_164, %max3A_165 : vector<128x640xf32>
        %min3A_167 = vector.broadcast %slice3A_43 : vector<128x1xf32> to vector<128x640xf32>
        %min3A_168 = vector.broadcast %get3A_154 : vector<1x640xf32> to vector<128x640xf32>
        %min3A_169 = arith.minimumf %min3A_167, %min3A_168 : vector<128x640xf32>
        %min3A_170 = vector.broadcast %slice3A_44 : vector<128x1xf32> to vector<128x640xf32>
        %min3A_171 = vector.broadcast %get3A_157 : vector<1x640xf32> to vector<128x640xf32>
        %min3A_172 = arith.minimumf %min3A_170, %min3A_171 : vector<128x640xf32>
        %sub3A_173 = arith.subf %min3A_169, %max3A_163 : vector<128x640xf32>
        %max3A_174 = arith.constant 0.000000e+00 : f32
        %max3A_175 = vector.broadcast %max3A_174 : f32 to vector<128x640xf32>
        %max3A_176 = arith.maximumf %sub3A_173, %max3A_175 : vector<128x640xf32>
        %sub3A_177 = arith.subf %min3A_172, %max3A_166 : vector<128x640xf32>
        %max3A_178 = arith.constant 0.000000e+00 : f32
        %max3A_179 = vector.broadcast %max3A_178 : f32 to vector<128x640xf32>
        %max3A_180 = arith.maximumf %sub3A_177, %max3A_179 : vector<128x640xf32>
        %mul3A_181 = arith.mulf %max3A_176, %max3A_180 : vector<128x640xf32>
        %add3A_182 = vector.broadcast %slice3A_45 : vector<128x1xf32> to vector<128x640xf32>
        %add3A_183 = vector.broadcast %get3A_160 : vector<1x640xf32> to vector<128x640xf32>
        %add3A_184 = arith.addf %add3A_182, %add3A_183 : vector<128x640xf32>
        %sub3A_185 = arith.subf %add3A_184, %mul3A_181 : vector<128x640xf32>
        %max3A_186 = arith.constant 9.99999971E-10 : f32
        %max3A_187 = vector.broadcast %max3A_186 : f32 to vector<128x640xf32>
        %max3A_188 = arith.maximumf %sub3A_185, %max3A_187 : vector<128x640xf32>
        %div3A_189 = arith.divf %mul3A_181, %max3A_188 : vector<128x640xf32>
        %gt3A_190 = arith.constant 3.000000e-01 : f32
        %gt3A_191 = vector.broadcast %gt3A_190 : f32 to vector<128x640xf32>
        %gt3A_192 = arith.cmpf ogt, %div3A_189, %gt3A_191 : vector<128x640xf32>
        %jit3A_193 = arith.constant 1.000000e+00 : f32
        %jit3A_194 = arith.constant 0.000000e+00 : f32
        %broadcast_in_dim3A_195 = vector.broadcast %jit3A_193 : f32 to vector<128x640xf32>
        %broadcast_in_dim3A_196 = vector.broadcast %jit3A_194 : f32 to vector<128x640xf32>
        %select_n3A_197 = arith.select %gt3A_192, %broadcast_in_dim3A_195, %broadcast_in_dim3A_196 : vector<128x640xi1>, vector<128x640xf32>
        %reduce_max3A = arith.constant dense<0xFF800000> : vector<128xf32>
        %reduce_max3A_198 = vector.multi_reduction <maximumf>, %select_n3A_197, %reduce_max3A [1] : vector<128x640xf32> to vector<128xf32>
        %broadcast_in_dim3A_199 = vector.shape_cast %reduce_max3A_198 : vector<128xf32> to vector<128x1xf32>
        scf.yield %broadcast_in_dim3A_199 : vector<128x1xf32>
      }
      %broadcast_in_dim3A_68 = vector.shape_cast %cond3A_67 : vector<128x1xf32> to vector<128x1xf32>
      %broadcast_in_dim3A_69 = vector.broadcast %broadcast_in_dim3A_68 : vector<128x1xf32> to vector<128x128xf32>
      %transpose3A_70 = tpu.transpose %broadcast_in_dim3A_69, [1, 0] : vector<128x128xf32> -> vector<128x128xf32>
      %slice3A_71 = vector.extract_strided_slice %transpose3A_70 {offsets = [0, 0], sizes = [1, 128], strides = [1, 1]} : vector<128x128xf32> to vector<1x128xf32>
      %max3A = vector.broadcast %slice3A : vector<128x1xf32> to vector<128x128xf32>
      %max3A_72 = vector.broadcast %get3A_21 : vector<1x128xf32> to vector<128x128xf32>
      %max3A_73 = arith.maximumf %max3A, %max3A_72 : vector<128x128xf32>
      %max3A_74 = vector.broadcast %slice3A_42 : vector<128x1xf32> to vector<128x128xf32>
      %max3A_75 = vector.broadcast %get3A_26 : vector<1x128xf32> to vector<128x128xf32>
      %max3A_76 = arith.maximumf %max3A_74, %max3A_75 : vector<128x128xf32>
      %min3A = vector.broadcast %slice3A_43 : vector<128x1xf32> to vector<128x128xf32>
      %min3A_77 = vector.broadcast %get3A_31 : vector<1x128xf32> to vector<128x128xf32>
      %min3A_78 = arith.minimumf %min3A, %min3A_77 : vector<128x128xf32>
      %min3A_79 = vector.broadcast %slice3A_44 : vector<128x1xf32> to vector<128x128xf32>
      %min3A_80 = vector.broadcast %get3A_36 : vector<1x128xf32> to vector<128x128xf32>
      %min3A_81 = arith.minimumf %min3A_79, %min3A_80 : vector<128x128xf32>
      %sub3A_82 = arith.subf %min3A_78, %max3A_73 : vector<128x128xf32>
      %max3A_83 = arith.constant 0.000000e+00 : f32
      %max3A_84 = vector.broadcast %max3A_83 : f32 to vector<128x128xf32>
      %max3A_85 = arith.maximumf %sub3A_82, %max3A_84 : vector<128x128xf32>
      %sub3A_86 = arith.subf %min3A_81, %max3A_76 : vector<128x128xf32>
      %max3A_87 = arith.constant 0.000000e+00 : f32
      %max3A_88 = vector.broadcast %max3A_87 : f32 to vector<128x128xf32>
      %max3A_89 = arith.maximumf %sub3A_86, %max3A_88 : vector<128x128xf32>
      %mul3A_90 = arith.mulf %max3A_85, %max3A_89 : vector<128x128xf32>
      %add3A = vector.broadcast %slice3A_45 : vector<128x1xf32> to vector<128x128xf32>
      %add3A_91 = vector.broadcast %mul3A_41 : vector<1x128xf32> to vector<128x128xf32>
      %add3A_92 = arith.addf %add3A, %add3A_91 : vector<128x128xf32>
      %sub3A_93 = arith.subf %add3A_92, %mul3A_90 : vector<128x128xf32>
      %max3A_94 = arith.constant 9.99999971E-10 : f32
      %max3A_95 = vector.broadcast %max3A_94 : f32 to vector<128x128xf32>
      %max3A_96 = arith.maximumf %sub3A_93, %max3A_95 : vector<128x128xf32>
      %div3A_97 = arith.divf %mul3A_90, %max3A_96 : vector<128x128xf32>
      %gt3A_98 = arith.constant 3.000000e-01 : f32
      %gt3A_99 = vector.broadcast %gt3A_98 : f32 to vector<128x128xf32>
      %gt3A_100 = arith.cmpf ogt, %div3A_97, %gt3A_99 : vector<128x128xf32>
      %and3A_101 = arith.andi %gt3A_100, %gt3A : vector<128x128xi1>
      %jit3A_102 = arith.constant 1.000000e+00 : f32
      %jit3A_103 = arith.constant 0.000000e+00 : f32
      %broadcast_in_dim3A_104 = vector.broadcast %jit3A_102 : f32 to vector<128x128xf32>
      %broadcast_in_dim3A_105 = vector.broadcast %jit3A_103 : f32 to vector<128x128xf32>
      %select_n3A_106 = arith.select %and3A_101, %broadcast_in_dim3A_104, %broadcast_in_dim3A_105 : vector<128x128xi1>, vector<128x128xf32>
      %gt3A_107 = arith.constant 0.00999999977 : f32
      %gt3A_108 = vector.broadcast %gt3A_107 : f32 to vector<1x128xf32>
      %gt3A_109 = arith.cmpf ogt, %get3A_39, %gt3A_108 : vector<1x128xf32>
      %jit3A_110 = arith.constant 0.000000e+00 : f32
      %jit3A_111 = arith.constant 1.000000e+00 : f32
      %broadcast_in_dim3A_112 = vector.broadcast %jit3A_110 : f32 to vector<1x128xf32>
      %broadcast_in_dim3A_113 = vector.broadcast %jit3A_111 : f32 to vector<1x128xf32>
      %select_n3A_114 = arith.select %gt3A_109, %broadcast_in_dim3A_112, %broadcast_in_dim3A_113 : vector<1x128xi1>, vector<1x128xf32>
      %max3A_115 = arith.maximumf %slice3A_71, %select_n3A_114 : vector<1x128xf32>
      %sub3A_116 = arith.constant 1.000000e+00 : f32
      %sub3A_117 = vector.broadcast %sub3A_116 : f32 to vector<1x128xf32>
      %sub3A_118 = arith.subf %sub3A_117, %max3A_115 : vector<1x128xf32>
      %broadcast_in_dim3A_119 = arith.constant 0.000000e+00 : f32
      %broadcast_in_dim3A_120 = vector.broadcast %broadcast_in_dim3A_119 : f32 to vector<1x128xf32>
      %while3A:2 = scf.while (%while3A_146 = %sub3A_118, %while3A_147 = %broadcast_in_dim3A_120) : (vector<1x128xf32>, vector<1x128xf32>) -> (vector<1x128xf32>, vector<1x128xf32>) {
        %sub3A_148 = arith.subf %while3A_146, %while3A_147 : vector<1x128xf32>
        %reduce_sum3A = vector.shape_cast %sub3A_148 : vector<1x128xf32> to vector<1x1x128xf32>
        %reduce_sum3A_149 = arith.constant dense<0.000000e+00> : vector<1xf32>
        %reduce_sum3A_150 = vector.multi_reduction <add>, %reduce_sum3A, %reduce_sum3A_149 [1, 2] : vector<1x1x128xf32> to vector<1xf32>
        %reduce_sum3A_151 = vector.shape_cast %reduce_sum3A_150 : vector<1xf32> to vector<1x1x1xf32>
        %reduce_sum3A_152 = vector.extract %reduce_sum3A_151[0, 0, 0] : f32 from vector<1x1x1xf32>
        %gt3A_153 = arith.constant 5.000000e-01 : f32
        %gt3A_154 = arith.cmpf ogt, %reduce_sum3A_152, %gt3A_153 : f32
        scf.condition(%gt3A_154) %while3A_146, %while3A_147 : vector<1x128xf32>, vector<1x128xf32>
      } do {
      ^bb0(%while3A_146: vector<1x128xf32>, %while3A_147: vector<1x128xf32>):
        %dot_general3A = arith.constant dense<0.000000e+00> : vector<1x128xf32>
        %dot_general3A_148 = tpu.matmul %while3A_146, %select_n3A_106, %dot_general3A {dimension_numbers = #tpu.dot_dimension_numbers<[1], [0], [0], [1], [0, 0, 1, 1], [], []>, transpose_lhs_hint = false} : vector<1x128xf32>, vector<128x128xf32>, vector<1x128xf32> -> vector<1x128xf32>
        %dot_general3A_149 = arith.constant dense<0.000000e+00> : vector<1x128xf32>
        %dot_general3A_150 = tpu.matmul %while3A_147, %select_n3A_106, %dot_general3A_149 {dimension_numbers = #tpu.dot_dimension_numbers<[1], [0], [0], [1], [0, 0, 1, 1], [], []>, transpose_lhs_hint = false} : vector<1x128xf32>, vector<128x128xf32>, vector<1x128xf32> -> vector<1x128xf32>
        %gt3A_151 = arith.constant 5.000000e-01 : f32
        %gt3A_152 = vector.broadcast %gt3A_151 : f32 to vector<1x128xf32>
        %gt3A_153 = arith.cmpf ogt, %dot_general3A_150, %gt3A_152 : vector<1x128xf32>
        %jit3A_154 = arith.constant 0.000000e+00 : f32
        %jit3A_155 = arith.constant 1.000000e+00 : f32
        %broadcast_in_dim3A_156 = vector.broadcast %jit3A_154 : f32 to vector<1x128xf32>
        %broadcast_in_dim3A_157 = vector.broadcast %jit3A_155 : f32 to vector<1x128xf32>
        %select_n3A_158 = arith.select %gt3A_153, %broadcast_in_dim3A_156, %broadcast_in_dim3A_157 : vector<1x128xi1>, vector<1x128xf32>
        %mul3A_159 = arith.mulf %sub3A_118, %select_n3A_158 : vector<1x128xf32>
        %gt3A_160 = arith.constant 5.000000e-01 : f32
        %gt3A_161 = vector.broadcast %gt3A_160 : f32 to vector<1x128xf32>
        %gt3A_162 = arith.cmpf ogt, %dot_general3A_148, %gt3A_161 : vector<1x128xf32>
        %jit3A_163 = arith.constant 0.000000e+00 : f32
        %jit3A_164 = arith.constant 1.000000e+00 : f32
        %broadcast_in_dim3A_165 = vector.broadcast %jit3A_163 : f32 to vector<1x128xf32>
        %broadcast_in_dim3A_166 = vector.broadcast %jit3A_164 : f32 to vector<1x128xf32>
        %select_n3A_167 = arith.select %gt3A_162, %broadcast_in_dim3A_165, %broadcast_in_dim3A_166 : vector<1x128xi1>, vector<1x128xf32>
        %mul3A_168 = arith.mulf %sub3A_118, %select_n3A_167 : vector<1x128xf32>
        scf.yield %mul3A_159, %mul3A_168 : vector<1x128xf32>, vector<1x128xf32>
      }
      %swap3A_121 = arith.index_cast %scan3A_16 : i32 to index
      %swap3A_122 = arith.constant 0 : index
      %swap3A_123 = vector.load %arg2[%swap3A_121, %swap3A_122] : memref<40x128xf32, #tpu.memory_space<vmem>>, vector<1x128xf32>
      tpu.vector_store %arg2[%swap3A_121, %swap3A_122], %while3A#1 {strides = array<i32>} : memref<40x128xf32, #tpu.memory_space<vmem>>, vector<1x128xf32>,
      %mul3A_124 = arith.constant 128 : i32
      %mul3A_125 = arith.muli %scan3A_16, %mul3A_124 : i32
      %mul3A_126 = arith.mulf %get3A_21, %while3A#1 : vector<1x128xf32>
      %swap3A_127 = arith.constant 0 : index
      %swap3A_128 = arith.index_cast %mul3A_125 : i32 to index
      %swap3A_129 = vector.load %arg3[%swap3A_127, %swap3A_128] : memref<8x5120xf32, #tpu.memory_space<vmem>>, vector<1x128xf32>
      tpu.vector_store %arg3[%swap3A_127, %swap3A_128], %mul3A_126 {strides = array<i32>} : memref<8x5120xf32, #tpu.memory_space<vmem>>, vector<1x128xf32>,
      %mul3A_130 = arith.mulf %get3A_26, %while3A#1 : vector<1x128xf32>
      %swap3A_131 = arith.constant 1 : index
      %swap3A_132 = arith.index_cast %mul3A_125 : i32 to index
      %swap3A_133 = vector.load %arg3[%swap3A_131, %swap3A_132] : memref<8x5120xf32, #tpu.memory_space<vmem>>, vector<1x128xf32>
      tpu.vector_store %arg3[%swap3A_131, %swap3A_132], %mul3A_130 {strides = array<i32>} : memref<8x5120xf32, #tpu.memory_space<vmem>>, vector<1x128xf32>,
      %mul3A_134 = arith.mulf %get3A_31, %while3A#1 : vector<1x128xf32>
      %swap3A_135 = arith.constant 2 : index
      %swap3A_136 = arith.index_cast %mul3A_125 : i32 to index
      %swap3A_137 = vector.load %arg3[%swap3A_135, %swap3A_136] : memref<8x5120xf32, #tpu.memory_space<vmem>>, vector<1x128xf32>
      tpu.vector_store %arg3[%swap3A_135, %swap3A_136], %mul3A_134 {strides = array<i32>} : memref<8x5120xf32, #tpu.memory_space<vmem>>, vector<1x128xf32>,
      %mul3A_138 = arith.mulf %get3A_36, %while3A#1 : vector<1x128xf32>
      %swap3A_139 = arith.constant 3 : index
      %swap3A_140 = arith.index_cast %mul3A_125 : i32 to index
      %swap3A_141 = vector.load %arg3[%swap3A_139, %swap3A_140] : memref<8x5120xf32, #tpu.memory_space<vmem>>, vector<1x128xf32>
      tpu.vector_store %arg3[%swap3A_139, %swap3A_140], %mul3A_138 {strides = array<i32>} : memref<8x5120xf32, #tpu.memory_space<vmem>>, vector<1x128xf32>,
      %mul3A_142 = arith.mulf %mul3A_41, %while3A#1 : vector<1x128xf32>
      %swap3A_143 = arith.constant 4 : index
      %swap3A_144 = arith.index_cast %mul3A_125 : i32 to index
      %swap3A_145 = vector.load %arg3[%swap3A_143, %swap3A_144] : memref<8x5120xf32, #tpu.memory_space<vmem>>, vector<1x128xf32>
      tpu.vector_store %arg3[%swap3A_143, %swap3A_144], %mul3A_142 {strides = array<i32>} : memref<8x5120xf32, #tpu.memory_space<vmem>>, vector<1x128xf32>,
    }
    %scan3A_7 = arith.constant 40 : i32
    %get3A = arith.constant 0 : index
    %get3A_8 = arith.constant 0 : index
    %get3A_9 = vector.load %arg2[%get3A, %get3A_8] : memref<40x128xf32, #tpu.memory_space<vmem>>, vector<40x128xf32>
    %get3A_10 = arith.constant 0 : index
    %get3A_11 = arith.constant 0 : index
    %get3A_12 = vector.load %arg1[%get3A_10, %get3A_11] : memref<40x128xf32, #tpu.memory_space<vmem>>, vector<40x128xf32>
    %mul3A = arith.mulf %get3A_9, %get3A_12 : vector<40x128xf32>
    %swap3A_13 = arith.constant 0 : index
    %swap3A_14 = arith.constant 0 : index
    %swap3A_15 = vector.load %arg2[%swap3A_13, %swap3A_14] : memref<40x128xf32, #tpu.memory_space<vmem>>, vector<40x128xf32>
    tpu.vector_store %arg2[%swap3A_13, %swap3A_14], %mul3A {strides = array<i32>} : memref<40x128xf32, #tpu.memory_space<vmem>>, vector<40x128xf32>,
    return
  }
}

</mosaic_0001>

<sc_bundles>
// kernel: gather_offload_async_start.1
scs
__scs_entry_jumppad:
0x0: {  	(pc) =	sbr.rel $0x88, $3  }
0x1: {  	(tag) =	ssettag $0x0;
	lr =	simm.s32 $0x1  }
0x2: {  	[smem:$0x3F9F] =	sst lr;
	_ =	strace $0xD0000000  }
0x3: {  	_ = 	snop  }
0x4: {  	_ = 	snop  }
0x5: {  	_ = 	snop  }
0x6: {  	_ = 	snop  }
0x7: {  	_ = 	snop  }
__scs_overlays_trampoline_lowered:
0x8: {  	[smem:$0x3FAE] =	sst s0  }
0x9: {  	[smem:$0x3FAF] =	sst s1  }
0xa: {  	[smem:$0x3FB0] =	sst s2  }
0xb: {  	[smem:$0x3FB1] =	sst s3  }
0xc: {  	[smem:$0x3FB2] =	sst s4  }
0xd: {  	[smem:$0x3FB3] =	sst s5  }
0xe: {  	[smem:$0x3FB4] =	sst s6  }
0xf: {  	[smem:$0x3FB5] =	sst s7  }
0x10: {  	[smem:$0x3FB6] =	sst s8  }
0x11: {  	[smem:$0x3FB7] =	sst s9;
	s0 =	simm.s32 @!p0 $0x0  }
0x12: {  	s1 =	sld [smem:$0x3F9D];
	s0 =	simm.s32 @p0 $0x1  }
0x13: {  	[smem:$0x3FB8] =	sst s0;
	s0 =	simm.s32 @!p1 $0x0  }
0x14: {  	s2 =	sld [smem:$0x3F9C];
	s0 =	simm.s32 @p1 $0x1  }
0x15: {  	[smem:$0x3FB9] =	sst s0;
	s0 =	simm.s32 @!p2 $0x0  }
0x16: {  	s3 =	sld [smem:$0x3FDB];
	s0 =	simm.s32 @p2 $0x1  }
0x17: {  	s4 =	simm.s32 $0x1BF5;
	[smem:$0x3FBB] =	sst s0  }
0x18: {  	s0 =	sld [smem:$0x3F9E];
	_ =	swait.ge [sflag:s4], $0x0  }
0x19: {  	s7 =	sld [smem:$0x3F9F]  }
0x1a: {  	s8 =	sadd.s32 $0xFFFFE003, lr  }
0x1b: {  	s9 =	sadd.s32 $0xFFFFFEF7, lr;
	s5 =	simm.s32 $0xFFFFFFFF;
	p2 =	slt.u32 s8, $0xFFFFF086  }
0x1c: {  	p1 =	slt.u32 s9, $0xF7A;
	s5 =	simm.s32 @!p2 $0x0  }
0x1d: {  	s5 =	simm.s32 @p1 $0x1;
	p0 =	seq.s32 s7, s2  }
0x1e: {  	s7 =	smul.u32 @!p0 $0xF7A, s2;
	p2 =	seq.s32 @!p0 s5, $0x0  }
0x1f: {  	s9 =	smul.u32 $0xF7A, s1;
	s8 =	simm.s32 @!p0 $0x1BF5;
	p2 =	por !p2, p0  }
0x20: {  	[sflag:s8] =	ssyncset.s32 @!p0 $0xFFFFF086;
	s6 =	sadd.s32 @!p0 s3, s7;
	s7 =	simm.s32 @!p0 $0x108  }
0x21: {  	s3 =	sadd.s32 s3, s9;
	s6 =	sadd.s32 @!p0 $0x88, s6;
	s7 =	simm.s32 @p2 $0x1082  }
0x22: {  	[simem:s7], [sflag:s8] =	dma.local @!p0 [hbm:s6], $0xF7A  }
0x23: {  	s9 =	sor.u32 $0xD0000000, s2;
	s6 =	simm.s32 $0x108;
	_ =	swait.ge @!p0 [sflag:s8], $0x0  }
0x24: {  	s3 =	sadd.s32 $0x88, s3;
	s6 =	simm.s32 @!p1 $0x1082;
	[sflag:s4] =	ssyncset.s32 $0xFFFFF086  }
0x25: {  	[simem:s6], [sflag:s4] =	dma.local [hbm:s3], $0xF7A  }
0x26: {  	[smem:$0x3F9F] =	sst s1;
	(tag) =	ssettag s2;
	_ =	strace s9  }
0x27: {  	s1 =	sld [smem:$0x3FAF]  }
0x28: {  	s2 =	sld [smem:$0x3FB0]  }
0x29: {  	s4 =	sld [smem:$0x3FB2]  }
0x2a: {  	p0 =	seq.s32 s5, $0x0;
	s5 =	sld [smem:$0x3FB3]  }
0x2b: {  	s6 =	sld [smem:$0x3FB4]  }
0x2c: {  	s7 =	sld [smem:$0x3FB5]  }
0x2d: {  	s3 =	simm.s32 $0x108;
	s8 =	sld [smem:$0x3FB6]  }
0x2e: {  	s3 =	simm.s32 @!p0 $0x1082;
	s9 =	sld [smem:$0x3FB7]  }
0x2f: {  	lr =	sadd.s32 s0, s3;
	s0 =	sld [smem:$0x3FAE]  }
0x30: {  	s3 =	sld [smem:$0x3FB1]  }
0x31: {  	[smem:$0x3FBA] =	sst s10  }
0x32: {  	s10 =	sld [smem:$0x3FB8];
	_ =	sdelay $0x3  }
0x33: {  	p0 =	seq.s32 s10, $0x1;
	s10 =	sld [smem:$0x3FBA];
	_ =	sdelay $0x3  }
0x34: {  	[smem:$0x3FBA] =	sst s10  }
0x35: {  	s10 =	sld [smem:$0x3FB9];
	_ =	sdelay $0x3  }
0x36: {  	p1 =	seq.s32 s10, $0x1;
	s10 =	sld [smem:$0x3FBA];
	_ =	sdelay $0x3  }
0x37: {  	[smem:$0x3FBA] =	sst s10  }
0x38: {  	s10 =	sld [smem:$0x3FBB]  }
0x39: {  	_ = 	snop;
	(pc) =	sbr.ind lr, $3  }
0x3a: {  	_ = 	snop  }
0x3b: {  	_ = 	snop  }
0x3c: {  	p2 =	seq.s32 s10, $0x1;
	s10 =	sld [smem:$0x3FBA]  }
0x3d: {  	_ =	shalt  }
0x3e: {  	_ =	shalt  }
0x3f: {  	_ =	shalt  }
0x40: {  	_ =	shalt  }
0x41: {  	_ =	shalt  }
0x42: {  	_ =	shalt  }
0x43: {  	_ =	shalt  }
0x44: {  	_ =	shalt  }
0x45: {  	_ =	shalt  }
0x46: {  	_ =	shalt  }
0x47: {  	_ =	shalt  }
0x48: {  	_ =	shalt  }
0x49: {  	_ =	shalt  }
0x4a: {  	_ =	shalt  }
0x4b: {  	_ =	shalt  }
0x4c: {  	_ =	shalt  }
0x4d: {  	_ =	shalt  }
0x4e: {  	_ =	shalt  }
0x4f: {  	_ =	shalt  }
0x50: {  	_ =	shalt  }
0x51: {  	_ =	shalt  }
0x52: {  	_ =	shalt  }
0x53: {  	_ =	shalt  }
0x54: {  	_ =	shalt  }
0x55: {  	_ =	shalt  }
0x56: {  	_ =	shalt  }
0x57: {  	_ =	shalt  }
0x58: {  	_ =	shalt  }
0x59: {  	_ =	shalt  }
0x5a: {  	_ =	shalt  }
0x5b: {  	_ =	shalt  }
0x5c: {  	_ =	shalt  }
0x5d: {  	_ =	shalt  }
0x5e: {  	_ =	shalt  }
0x5f: {  	_ =	shalt  }
0x60: {  	_ =	shalt  }
0x61: {  	_ =	shalt  }
0x62: {  	_ =	shalt  }
0x63: {  	_ =	shalt  }
0x64: {  	_ =	shalt  }
0x65: {  	_ =	shalt  }
0x66: {  	_ =	shalt  }
0x67: {  	_ =	shalt  }
0x68: {  	_ =	shalt  }
0x69: {  	_ =	shalt  }
0x6a: {  	_ =	shalt  }
0x6b: {  	_ =	shalt  }
0x6c: {  	_ =	shalt  }
0x6d: {  	_ =	shalt  }
0x6e: {  	_ =	shalt  }
0x6f: {  	_ =	shalt  }
0x70: {  	_ =	shalt  }
0x71: {  	_ =	shalt  }
0x72: {  	_ =	shalt  }
0x73: {  	_ =	shalt  }
0x74: {  	_ =	shalt  }
0x75: {  	_ =	shalt  }
0x76: {  	_ =	shalt  }
0x77: {  	_ =	shalt  }
0x78: {  	_ =	shalt  }
0x79: {  	_ =	shalt  }
0x7a: {  	_ =	shalt  }
0x7b: {  	_ =	shalt  }
0x7c: {  	_ =	shalt  }
0x7d: {  	_ =	shalt  }
0x7e: {  	_ =	shalt  }
0x7f: {  	_ =	shalt  }
0x80: {  	_ =	shalt  }
0x81: {  	_ =	shalt  }
0x82: {  	_ =	shalt  }
0x83: {  	_ =	shalt  }
0x84: {  	_ =	shalt  }
0x85: {  	_ =	shalt  }
0x86: {  	_ =	shalt  }
0x87: {  	_ =	shalt  }
.Lfunc_end0:
.L_simem_size_0:
called_computation.1_lowered:
.L_overlay_start_0:
0x88: {  	s0 =	sld [smem:$0x3FD9]  }
0x89: {  	s1 =	sld [smem:$0x3FFE];
	_ =	sdelay $0x3  }
0x8a: {  	s0 =	sadd.s32 s1, s0  }
0x8b: {  	[smem:$0x3FC6] =	sst s0  }
0x8c: {  	_ = 	snop  }
0x8d: {  	s0 =	sld [smem:$0x3FC8]  }
0x8e: {  	s16 =	sld [smem:$0x3FD0];
	(tm) =	ssettm $0x1  }
0x8f: {  	s2 =	sld [smem:$0x3FFB];
	_ =	sdelay $0x3  }
0x90: {  	_ =	strace s2  }
0x91: {  	s2 =	sld [smem:$0x3FFC];
	_ =	sdelay $0x3  }
0x92: {  	_ =	strace s2  }
0x93: {  	s2 =	sld [smem:$0x3FFD];
	_ =	sdelay $0x3  }
0x94: {  	_ =	strace s2  }
0x95: {  	_ =	strace $0x8FFFFFFF  }
0x96: {  	s17 =	sld [smem:$0x3FDB];
	_ =	sdelay $0x1  }
0x97: {  	s3 =	simm.s32 $_scs_section_size  }
0x98: {  	s4 =	simm.s32 $_size__tile_overlayer_lowered;
	s5 =	simm.s32 $_tile_overlayer_lowered  }
0x99: {  	s20 =	simm.s32 $0x1BFF;
	s19 =	sshll.u32 s5, $0x1;
	s2 =	sadd.s32 s3, s17  }
0x9a: {  	s6 =	simm.s32 $0x0;
	s18 =	sshll.u32 s4, $0x1;
	s4 =	sadd.s32 s19, s2  }
0x9b: {  	[timem:s6], [sflag:s20] =	dma.local [hbm:s4], s18  }
0x9c: {  	_ =	swait.ge [sflag:s20], s18  }
0x9d: {  	s3 =	ssub.s32 $0x0, s18;
	[sflag:s20] =	ssyncset.done $0x0  }
0x9e: {  	[sflag:s20] =	ssyncadd.s32 s3;
	_ =	sdelay $0x1  }
0x9f: {  	s21 =	simm.s32 $0x1B8B  }
0xa0: {  	_ =	swait.ge [sflag:s21], $0x1  }
0xa1: {  	[sflag:s21] =	ssyncset.done $0x0  }
0xa2: {  	s23 =	simm.s32 $0x1B8E;
	s22 =	sld [smem:$0x3FFE];
	[sflag:s21] =	ssyncadd.s32 $0xFFFFFFFF  }
0xa3: {  	s24 =	simm.s32 $execute0_lowered;
	[smem:$0x3FD2] =	sst s23  }
0xa4: {  	s4 =	sshll.u32 s24, $0x1;
	_ =	strace $0x80000046;
	[dreg:$0x1] =	wrdreg $0xFFFFFFFF  }
0xa5: {  	s25 =	simm.s32 $_size_execute0_lowered;
	s2 =	sadd.s32 s2, s4;
	[dreg:$0x0] =	wrdreg $0x0  }
0xa6: {  	s4 =	sshll.u32 s25, $0x1;
	[dreg:$0x2] =	wrdreg s2  }
0xa7: {  	[dreg:$0x3] =	wrdreg s4  }
0xa8: {  	[dreg:$0x4] =	wrdreg $0xC0  }
0xa9: {  	_ =	task [dreg:s6], $0x5FFFF  }
0xaa: {  	[dreg:$0x1] =	wrdreg $0xFFFFFFFF  }
0xab: {  	[dreg:$0x0] =	wrdreg $0x60  }
0xac: {  	[dreg:$0x2] =	wrdreg s0  }
0xad: {  	[dreg:$0x3] =	wrdreg s16  }
0xae: {  	[dreg:$0x4] =	wrdreg s22  }
0xaf: {  	[dreg:$0x5] =	wrdreg $0x9  }
0xb0: {  	_ =	task.clear_ibuf [dreg:s6], $0x6FFFF;
	_ =	strace $0x90000046  }
0xb1: {  	s26 =	simm.s32 $0x9;
	_ =	strace $0x80000048  }
0xb2: {  	_ =	swait.ge [sflag:s26], $0x1  }
0xb3: {  	[sflag:s26] =	ssyncadd.s32 $0xFFFFFFFF  }
0xb4: {  	_ =	strace $0x90000048  }
0xb5: {  	_ =	sfence  }
0xb6: {  	s28 =	sld [smem:$0x0];
	_ =	sdelay $0x1  }
0xb7: {  	s29 =	srdreg.scid  }
0xb8: {  	s30 =	sshll.u32 s29, $0xD;
	s31 =	sshrl.u32 s29, $0x2  }
0xb9: {  	s1 =	sand.u32 $0x1, s29;
	s2 =	sand.u32 $0x4000, s30;
	s0 =	sadd.s32 s31, s28  }
0xba: {  	s1 =	sor.u32 s2, s1;
	s0 =	sshll.u32 s0, $0x11  }
0xbb: {  	s0 =	sor.u32 s0, s1  }
0xbc: {  	s0 =	sadd.s32 $0x8F2B, s0  }
0xbd: {  	[sflag:s0] =	ssyncadd.remote.s32 $0x1  }
0xbe: {  	_ =	sfence.sel $0xFFFF  }
0xbf: {  	[dreg:$0x0] =	wrdreg $0xFFFFFFFF;
	(pc) =	sbr.abs _section_cstart, $3  }
0xc0: {  	[dreg:$0x1] =	wrdreg $0xFFFFFFFF  }
0xc1: {  	_ =	task.clear_ibuf [dreg:s6], $0x2FFFF;
	_ =	strace $0x9FFFFFFF  }
0xc2: {  	(tm) =	ssettm $0x7FFFFFFF  }
0xc3: {  	_ =	shalt  }
tec
execute0_lowered:
.L_overlay_start_1:
0x0: {  	(tag) =	ssettag $0x1  }
0x1: {  	s2 =	rddreg [dreg:$0x0]  }
0x2: {  	s3 =	rddreg [dreg:$0x1]  }
0x3: {  	s4 =	rddreg [dreg:$0x2];
	s1 =	stileid.u32  }
0x4: {  	s0 =	rddreg [dreg:$0x3];
	_ =	strace $0x80000047;
	s6 =	simm.s32 $0x1  }
0x5: {  	s8 =	simm.s32 $0x2;
	s30 =	simm.s32 $0x3;
	s5 =	sshll.u32 s1, $0x4  }
0x6: {  	s12 =	simm.s32 $0x0;
	s9 =	simm.s32 $0x0;
	s7 =	ssub.s32 $0x1380, s5  }
0x7: {  	s10 =	simm.s32 $0x0;
	[sflag:s6] =	ssyncpa.u1 $0x0;
	s6 =	sshrl.u32 s7, $0x8  }
0x8: {  	[sflag:s8] =	ssyncpa.u1 $0x0;
	s11 =	smov.u32 s5;
	s31 =	sshll.u32 s6, $0x4  }
0x9: {  	[sflag:s30] =	ssyncpa.u1 $0x0;
	s7 =	sadd.s32 $0x2, s6;
	s8 =	sadd.s32 $0x30, s31  }
.LBB2_1:
0xa: {  	p0 =	sgt.u32 s10, s6  }
0xb: {  	s13 =	sxor.u32 @!p0 $0xFFFFFFFF, s9;
	s14 =	sshrl.u32 @!p0 s11, $0x3  }
0xc: {  	s15 =	sand.u32 @!p0 $0x7, s11;
	s13 =	sand.u32 @!p0 $0x10, s13;
	s14 =	sadd.s32 @!p0 s3, s14  }
0xd: {  	[tilespmem:s13], [sflag:$0x2] =	stream.linear.gather @!p0 [hbm4b:s14+s15], $0x10, $0x38;
	[tilespmem:$0x40] =	vst v63  }
0xe: {  	p0 =	seq.s32 s9, $0x0  }
0xf: {  	p1 =	sge.u32 @!p0 s10, s7  }
0x10: {  	p0 =	por p1, p0  }
0x11: {  	s13 =	simm.s32 @!p0 $0x2  }
0x12: {  	_ =	swait.ge @!p0 [sflag:s13], $0x10  }
0x13: {  	[sflag:s13] =	ssyncset.done @!p0 $0x0  }
0x14: {  	[sflag:s13] =	ssyncadd.s32 @!p0 $0xFFFFFFF0;
	s13 =	sand.u32 @!p0 $0x10, s9  }
0x15: {  	(ifvalue) =	ssetifvalue @!p0 $0x7FFFFFFF;
	v0 =	vld.msk @!p0 [tilespmem:s13+$0x0 ss:$0x1], $0xffff;
	_ =	sdelay $0x4  }
0x16: {  	vm0 =	vgt.s32 @!p0 v0, $0x0  }
0x17: {  	v0 =	vnsel @!p0 vm0, $0x0, v0  }
0x18: {  	v0 =	vmin.u32 @!p0 v0, $0x1387;
	_ =	sdelay $0x3  }
0x19: {  	s14 =	simm.s32 @!p0 $0x0;
	s13 =	sor.u32 @!p0 $0x20, s13;
	(ifvalue) =	ssetifvalue @!p0 $0x7FFFFFFF;
	vm0 =	vmmov @!p0 $0xffff  }
0x1a: {  	[tilespmem:s13], [sflag:$0x1] =	stream.indirect_vreg.gather @!p0 [hbm4b:s2+s14], $0x1, v0, vm0, $0x4038;
	[tilespmem:$0x40] =	vst v63  }
0x1b: {  	s14 =	simm.s32 @!p0 $0x1  }
0x1c: {  	_ =	swait.ge @!p0 [sflag:s14], $0x10  }
0x1d: {  	s15 =	sshrl.u32 @!p0 s12, $0x3;
	[sflag:s14] =	ssyncset.done @!p0 $0x0  }
0x1e: {  	s12 =	sand.u32 @!p0 $0x7, s12;
	[sflag:s14] =	ssyncadd.s32 @!p0 $0xFFFFFFF0;
	s14 =	sadd.s32 @!p0 s4, s15  }
0x1f: {  	[hbm4b:s14+s12] =	stream.linear.scatter @!p0 [tilespmem:s13], [sflag:$0x3], $0x10, $0x38;
	[tilespmem:$0x40] =	vst v63  }
0x20: {  	s14 =	sadd.s32 $0x100, s11  }
0x21: {  	s9 =	sadd.s32 $0x10, s9;
	p1 =	sgt.s32 s14, $0x1387  }
0x22: {  	s14 =	smov.u32 @p1 s5;
	p1 =	sne.s32 s8, s9  }
.Ltmp0:
0x23: {  	p0 =	slt.u32 s10, $0x2;
	(pc) =	sbr.rel @p1 .LBB2_1-.Ltmp0, $4  }
0x24: {  	s13 =	simm.s32 @!p0 $0x3  }
0x25: {  	_ =	swait.ge @!p0 [sflag:s13], $0x10  }
0x26: {  	s12 =	smov.u32 s11;
	[sflag:s13] =	ssyncset.done @!p0 $0x0  }
0x27: {  	s10 =	sadd.s32 $0x1, s10;
	s11 =	smov.u32 s14;
	[sflag:s13] =	ssyncadd.s32 @!p0 $0xFFFFFFF0  }
0x28: {  	_ =	sfence.sel $0x180000  }
0x29: {  	s2 =	simm.s32 $0x2;
	[bflag:$0x0] =	sbarrier.arrive $0xFFFF  }
0x2a: {  	s30 =	simm.s32 $0x3;
	[sflag:s2] =	ssyncpa.u1 $0x1  }
0x2b: {  	s31 =	simm.s32 $0x1;
	[sflag:s30] =	ssyncpa.u1 $0x1  }
0x2c: {  	[sflag:s31] =	ssyncpa.u1 $0x1  }
0x2d: {  	p0 =	sne.s32 s1, $0x0;
	_ =	strace $0x90000047  }
0x2e: {  	s0 =	sadd.s32 @!p0 $0x100000, s0;
	[bflag:$0x2] =	sbarrier.arrive $0xFFFF  }
0x2f: {  	[sflag:s0] =	ssyncadd.tile.s32 @!p0 $0x1;
	_ =	shalt  }
.Lfunc_end2:
_tile_overlayer_lowered:
.L_overlay_start_2:
0x30: {  	(tag) =	ssettag $0x2  }
0x31: {  	s0 =	rddreg [dreg:$0x0];
	s2 =	stileid.u32  }
0x32: {  	s1 =	rddreg [dreg:$0x1];
	p0 =	sne.s32 s2, $0x0  }
0x33: {  	s3 =	rddreg [dreg:$0x2];
	[bflag:$0x3] =	sbarrier.arrive $0xFFFF;
	s2 =	simm.s32 @!p0 $0x1C01  }
0x34: {  	[timem:s3], [sflag:s2] =	dma.local @!p0 [hbm:s0], s1  }
0x35: {  	s0 =	simm.s32 @!p0 $0x1  }
0x36: {  	_ =	swait.ge @!p0 [sflag:s0], s1  }
0x37: {  	s1 =	ssub.s32 @!p0 $0x0, s1;
	[sflag:s0] =	ssyncset.done @!p0 $0x0  }
0x38: {  	[sflag:s0] =	ssyncadd.s32 @!p0 s1  }
0x39: {  	[bflag:$0x3] =	sbarrier.arrive $0xFFFF  }
0x3a: {  	_ =	shalt  }

// kernel: gather_offload_async_start
scs
__scs_entry_jumppad:
0x0: {  	(pc) =	sbr.rel $0x88, $3  }
0x1: {  	(tag) =	ssettag $0x0;
	lr =	simm.s32 $0x1  }
0x2: {  	[smem:$0x3F9F] =	sst lr;
	_ =	strace $0xD0000000  }
0x3: {  	_ = 	snop  }
0x4: {  	_ = 	snop  }
0x5: {  	_ = 	snop  }
0x6: {  	_ = 	snop  }
0x7: {  	_ = 	snop  }
__scs_overlays_trampoline_lowered:
0x8: {  	[smem:$0x3FAE] =	sst s0  }
0x9: {  	[smem:$0x3FAF] =	sst s1  }
0xa: {  	[smem:$0x3FB0] =	sst s2  }
0xb: {  	[smem:$0x3FB1] =	sst s3  }
0xc: {  	[smem:$0x3FB2] =	sst s4  }
0xd: {  	[smem:$0x3FB3] =	sst s5  }
0xe: {  	[smem:$0x3FB4] =	sst s6  }
0xf: {  	[smem:$0x3FB5] =	sst s7  }
0x10: {  	[smem:$0x3FB6] =	sst s8  }
0x11: {  	[smem:$0x3FB7] =	sst s9;
	s0 =	simm.s32 @!p0 $0x0  }
0x12: {  	s1 =	sld [smem:$0x3F9D];
	s0 =	simm.s32 @p0 $0x1  }
0x13: {  	[smem:$0x3FB8] =	sst s0;
	s0 =	simm.s32 @!p1 $0x0  }
0x14: {  	s2 =	sld [smem:$0x3F9C];
	s0 =	simm.s32 @p1 $0x1  }
0x15: {  	[smem:$0x3FB9] =	sst s0;
	s0 =	simm.s32 @!p2 $0x0  }
0x16: {  	s3 =	sld [smem:$0x3FDB];
	s0 =	simm.s32 @p2 $0x1  }
0x17: {  	s4 =	simm.s32 $0x1BF5;
	[smem:$0x3FBB] =	sst s0  }
0x18: {  	s0 =	sld [smem:$0x3F9E];
	_ =	swait.ge [sflag:s4], $0x0  }
0x19: {  	s7 =	sld [smem:$0x3F9F]  }
0x1a: {  	s8 =	sadd.s32 $0xFFFFE003, lr  }
0x1b: {  	s9 =	sadd.s32 $0xFFFFFEF7, lr;
	s5 =	simm.s32 $0xFFFFFFFF;
	p2 =	slt.u32 s8, $0xFFFFF086  }
0x1c: {  	p1 =	slt.u32 s9, $0xF7A;
	s5 =	simm.s32 @!p2 $0x0  }
0x1d: {  	s5 =	simm.s32 @p1 $0x1;
	p0 =	seq.s32 s7, s2  }
0x1e: {  	s7 =	smul.u32 @!p0 $0xF7A, s2;
	p2 =	seq.s32 @!p0 s5, $0x0  }
0x1f: {  	s9 =	smul.u32 $0xF7A, s1;
	s8 =	simm.s32 @!p0 $0x1BF5;
	p2 =	por !p2, p0  }
0x20: {  	[sflag:s8] =	ssyncset.s32 @!p0 $0xFFFFF086;
	s6 =	sadd.s32 @!p0 s3, s7;
	s7 =	simm.s32 @!p0 $0x108  }
0x21: {  	s3 =	sadd.s32 s3, s9;
	s6 =	sadd.s32 @!p0 $0x88, s6;
	s7 =	simm.s32 @p2 $0x1082  }
0x22: {  	[simem:s7], [sflag:s8] =	dma.local @!p0 [hbm:s6], $0xF7A  }
0x23: {  	s9 =	sor.u32 $0xD0000000, s2;
	s6 =	simm.s32 $0x108;
	_ =	swait.ge @!p0 [sflag:s8], $0x0  }
0x24: {  	s3 =	sadd.s32 $0x88, s3;
	s6 =	simm.s32 @!p1 $0x1082;
	[sflag:s4] =	ssyncset.s32 $0xFFFFF086  }
0x25: {  	[simem:s6], [sflag:s4] =	dma.local [hbm:s3], $0xF7A  }
0x26: {  	[smem:$0x3F9F] =	sst s1;
	(tag) =	ssettag s2;
	_ =	strace s9  }
0x27: {  	s1 =	sld [smem:$0x3FAF]  }
0x28: {  	s2 =	sld [smem:$0x3FB0]  }
0x29: {  	s4 =	sld [smem:$0x3FB2]  }
0x2a: {  	p0 =	seq.s32 s5, $0x0;
	s5 =	sld [smem:$0x3FB3]  }
0x2b: {  	s6 =	sld [smem:$0x3FB4]  }
0x2c: {  	s7 =	sld [smem:$0x3FB5]  }
0x2d: {  	s3 =	simm.s32 $0x108;
	s8 =	sld [smem:$0x3FB6]  }
0x2e: {  	s3 =	simm.s32 @!p0 $0x1082;
	s9 =	sld [smem:$0x3FB7]  }
0x2f: {  	lr =	sadd.s32 s0, s3;
	s0 =	sld [smem:$0x3FAE]  }
0x30: {  	s3 =	sld [smem:$0x3FB1]  }
0x31: {  	[smem:$0x3FBA] =	sst s10  }
0x32: {  	s10 =	sld [smem:$0x3FB8];
	_ =	sdelay $0x3  }
0x33: {  	p0 =	seq.s32 s10, $0x1;
	s10 =	sld [smem:$0x3FBA];
	_ =	sdelay $0x3  }
0x34: {  	[smem:$0x3FBA] =	sst s10  }
0x35: {  	s10 =	sld [smem:$0x3FB9];
	_ =	sdelay $0x3  }
0x36: {  	p1 =	seq.s32 s10, $0x1;
	s10 =	sld [smem:$0x3FBA];
	_ =	sdelay $0x3  }
0x37: {  	[smem:$0x3FBA] =	sst s10  }
0x38: {  	s10 =	sld [smem:$0x3FBB]  }
0x39: {  	_ = 	snop;
	(pc) =	sbr.ind lr, $3  }
0x3a: {  	_ = 	snop  }
0x3b: {  	_ = 	snop  }
0x3c: {  	p2 =	seq.s32 s10, $0x1;
	s10 =	sld [smem:$0x3FBA]  }
0x3d: {  	_ =	shalt  }
0x3e: {  	_ =	shalt  }
0x3f: {  	_ =	shalt  }
0x40: {  	_ =	shalt  }
0x41: {  	_ =	shalt  }
0x42: {  	_ =	shalt  }
0x43: {  	_ =	shalt  }
0x44: {  	_ =	shalt  }
0x45: {  	_ =	shalt  }
0x46: {  	_ =	shalt  }
0x47: {  	_ =	shalt  }
0x48: {  	_ =	shalt  }
0x49: {  	_ =	shalt  }
0x4a: {  	_ =	shalt  }
0x4b: {  	_ =	shalt  }
0x4c: {  	_ =	shalt  }
0x4d: {  	_ =	shalt  }
0x4e: {  	_ =	shalt  }
0x4f: {  	_ =	shalt  }
0x50: {  	_ =	shalt  }
0x51: {  	_ =	shalt  }
0x52: {  	_ =	shalt  }
0x53: {  	_ =	shalt  }
0x54: {  	_ =	shalt  }
0x55: {  	_ =	shalt  }
0x56: {  	_ =	shalt  }
0x57: {  	_ =	shalt  }
0x58: {  	_ =	shalt  }
0x59: {  	_ =	shalt  }
0x5a: {  	_ =	shalt  }
0x5b: {  	_ =	shalt  }
0x5c: {  	_ =	shalt  }
0x5d: {  	_ =	shalt  }
0x5e: {  	_ =	shalt  }
0x5f: {  	_ =	shalt  }
0x60: {  	_ =	shalt  }
0x61: {  	_ =	shalt  }
0x62: {  	_ =	shalt  }
0x63: {  	_ =	shalt  }
0x64: {  	_ =	shalt  }
0x65: {  	_ =	shalt  }
0x66: {  	_ =	shalt  }
0x67: {  	_ =	shalt  }
0x68: {  	_ =	shalt  }
0x69: {  	_ =	shalt  }
0x6a: {  	_ =	shalt  }
0x6b: {  	_ =	shalt  }
0x6c: {  	_ =	shalt  }
0x6d: {  	_ =	shalt  }
0x6e: {  	_ =	shalt  }
0x6f: {  	_ =	shalt  }
0x70: {  	_ =	shalt  }
0x71: {  	_ =	shalt  }
0x72: {  	_ =	shalt  }
0x73: {  	_ =	shalt  }
0x74: {  	_ =	shalt  }
0x75: {  	_ =	shalt  }
0x76: {  	_ =	shalt  }
0x77: {  	_ =	shalt  }
0x78: {  	_ =	shalt  }
0x79: {  	_ =	shalt  }
0x7a: {  	_ =	shalt  }
0x7b: {  	_ =	shalt  }
0x7c: {  	_ =	shalt  }
0x7d: {  	_ =	shalt  }
0x7e: {  	_ =	shalt  }
0x7f: {  	_ =	shalt  }
0x80: {  	_ =	shalt  }
0x81: {  	_ =	shalt  }
0x82: {  	_ =	shalt  }
0x83: {  	_ =	shalt  }
0x84: {  	_ =	shalt  }
0x85: {  	_ =	shalt  }
0x86: {  	_ =	shalt  }
0x87: {  	_ =	shalt  }
.Lfunc_end0:
.L_simem_size_0:
called_computation_lowered:
.L_overlay_start_0:
0x88: {  	s0 =	sld [smem:$0x3FD9]  }
0x89: {  	s1 =	sld [smem:$0x3FFE];
	_ =	sdelay $0x3  }
0x8a: {  	s0 =	sadd.s32 s1, s0  }
0x8b: {  	[smem:$0x3FC6] =	sst s0  }
0x8c: {  	_ = 	snop  }
0x8d: {  	s0 =	sld [smem:$0x3FD0];
	(tm) =	ssettm $0x1  }
0x8e: {  	s16 =	sld [smem:$0x3FFB];
	_ =	sdelay $0x3  }
0x8f: {  	_ =	strace s16  }
0x90: {  	s1 =	sld [smem:$0x3FFC];
	_ =	sdelay $0x3  }
0x91: {  	_ =	strace s1  }
0x92: {  	s1 =	sld [smem:$0x3FFD];
	_ =	sdelay $0x3  }
0x93: {  	_ =	strace s1  }
0x94: {  	_ =	strace $0x8FFFFFFF  }
0x95: {  	s17 =	sld [smem:$0x3FDB];
	_ =	sdelay $0x1  }
0x96: {  	s2 =	simm.s32 $_scs_section_size  }
0x97: {  	s3 =	simm.s32 $_size__tile_overlayer_lowered;
	s4 =	simm.s32 $_tile_overlayer_lowered  }
0x98: {  	s20 =	simm.s32 $0x1BFF;
	s19 =	sshll.u32 s4, $0x1;
	s1 =	sadd.s32 s2, s17  }
0x99: {  	s5 =	simm.s32 $0x0;
	s18 =	sshll.u32 s3, $0x1;
	s3 =	sadd.s32 s19, s1  }
0x9a: {  	[timem:s5], [sflag:s20] =	dma.local [hbm:s3], s18  }
0x9b: {  	_ =	swait.ge [sflag:s20], s18  }
0x9c: {  	s2 =	ssub.s32 $0x0, s18;
	[sflag:s20] =	ssyncset.done $0x0  }
0x9d: {  	[sflag:s20] =	ssyncadd.s32 s2;
	_ =	sdelay $0x1  }
0x9e: {  	s21 =	simm.s32 $0x1B8B  }
0x9f: {  	_ =	swait.ge [sflag:s21], $0x1  }
0xa0: {  	[sflag:s21] =	ssyncset.done $0x0  }
0xa1: {  	s23 =	simm.s32 $0x1B8E;
	s22 =	sld [smem:$0x3FFE];
	[sflag:s21] =	ssyncadd.s32 $0xFFFFFFFF  }
0xa2: {  	s24 =	simm.s32 $execute0_lowered;
	[smem:$0x3FD2] =	sst s23  }
0xa3: {  	s3 =	sshll.u32 s24, $0x1;
	_ =	strace $0x80000049;
	[dreg:$0x1] =	wrdreg $0xFFFFFFFF  }
0xa4: {  	s25 =	simm.s32 $_size_execute0_lowered;
	s1 =	sadd.s32 s1, s3;
	[dreg:$0x0] =	wrdreg $0x0  }
0xa5: {  	s3 =	sshll.u32 s25, $0x1;
	[dreg:$0x2] =	wrdreg s1  }
0xa6: {  	[dreg:$0x3] =	wrdreg s3  }
0xa7: {  	[dreg:$0x4] =	wrdreg $0xC0  }
0xa8: {  	_ =	task [dreg:s5], $0x5FFFF  }
0xa9: {  	[dreg:$0x1] =	wrdreg $0xFFFFFFFF  }
0xaa: {  	[dreg:$0x0] =	wrdreg $0x60  }
0xab: {  	[dreg:$0x2] =	wrdreg s22  }
0xac: {  	[dreg:$0x3] =	wrdreg s0  }
0xad: {  	[dreg:$0x4] =	wrdreg $0x9  }
0xae: {  	_ =	task.clear_ibuf [dreg:s5], $0x5FFFF;
	_ =	strace $0x90000049  }
0xaf: {  	s26 =	simm.s32 $0x9;
	_ =	strace $0x8000004B  }
0xb0: {  	_ =	swait.ge [sflag:s26], $0x1  }
0xb1: {  	[sflag:s26] =	ssyncadd.s32 $0xFFFFFFFF  }
0xb2: {  	_ =	strace $0x9000004B  }
0xb3: {  	_ =	sfence  }
0xb4: {  	s28 =	sld [smem:$0x0];
	_ =	sdelay $0x1  }
0xb5: {  	s29 =	srdreg.scid  }
0xb6: {  	s30 =	sshll.u32 s29, $0xD;
	s31 =	sshrl.u32 s29, $0x2  }
0xb7: {  	s2 =	sand.u32 $0x4000, s30;
	s1 =	sand.u32 $0x1, s29;
	s0 =	sadd.s32 s31, s28  }
0xb8: {  	s1 =	sor.u32 s2, s1;
	s0 =	sshll.u32 s0, $0x11  }
0xb9: {  	s0 =	sor.u32 s0, s1  }
0xba: {  	s0 =	sadd.s32 $0x8F2B, s0  }
0xbb: {  	[sflag:s0] =	ssyncadd.remote.s32 $0x1  }
0xbc: {  	_ =	sfence.sel $0xFFFF  }
0xbd: {  	[dreg:$0x0] =	wrdreg $0xFFFFFFFF;
	(pc) =	sbr.abs _section_cstart, $3  }
0xbe: {  	[dreg:$0x1] =	wrdreg $0xFFFFFFFF  }
0xbf: {  	_ =	task.clear_ibuf [dreg:s5], $0x2FFFF;
	_ =	strace $0x9FFFFFFF  }
0xc0: {  	(tm) =	ssettm $0x7FFFFFFF  }
0xc1: {  	_ =	shalt  }
tec
execute0_lowered:
.L_overlay_start_1:
0x0: {  	(tag) =	ssettag $0x1  }
0x1: {  	s0 =	stileid.u32  }
0x2: {  	s1 =	smin.u32 s0, $0x9  }
0x3: {  	s1 =	sadd.s32 s0, s1  }
0x4: {  	s2 =	simm.s32 $0x190;
	p0 =	slt.u32 s0, $0x9;
	s1 =	smul.u32 $0xC8, s1  }
0x5: {  	s2 =	simm.s32 @!p0 $0xC8  }
0x6: {  	s2 =	sadd.s32 s2, s1  }
0x7: {  	s3 =	smin.u32 s2, $0x1388  }
0x8: {  	s7 =	ssub.s32 s3, s1  }
0x9: {  	p0 =	sgt.s32 s7, $0x0  }
0xa: {  	s7 =	simm.s32 @!p0 $0x0  }
0xb: {  	s31 =	sand.u32 $0xFFF8, s7  }
0xc: {  	s2 =	sshrl.u32 s31, $0x3  }
0xd: {  	s9 =	rddreg [dreg:$0x0];
	s2 =	smul.u32 $0x147B, s2  }
0xe: {  	s4 =	rddreg [dreg:$0x1];
	s6 =	simm.s32 $0x1  }
0xf: {  	s11 =	simm.s32 $0x3;
	s13 =	simm.s32 $0x0;
	s8 =	sshrl.u32 s2, $0x11  }
0x10: {  	s12 =	simm.s32 $0x0;
	s5 =	sadd.s32 $0x400, s9;
	s10 =	smul.u32 $0xC8, s8  }
.Ltmp0:
0x11: {  	s9 =	sadd.s32 $0x13E00, s9;
	s2 =	rddreg [dreg:$0x2];
	(pc) =	sbr.rel .LBB2_1-.Ltmp0, $4  }
0x12: {  	_ =	strace $0x8000004A;
	p0 =	sne.s32 s7, s10;
	s10 =	simm.s32 $0x1  }
0x13: {  	[sflag:s6] =	ssyncpa.u1 $0x0;
	s7 =	simm.s32 $0x2;
	s10 =	simm.s32 @!p0 $0x0  }
0x14: {  	[sflag:s7] =	ssyncpa.u1 $0x0;
	p0 =	por $0x0, $0x0;
	s8 =	sadd.s32 s8, s10  }
0x15: {  	vm0 =	vmmov $0xff;
	vm1 =	vcmask $0x3F20;
	[sflag:s11] =	ssyncpa.u1 $0x0;
	s11 =	smov.u32 s1;
	s10 =	sadd.s32 $0x1, s8  }
.LBB2_6:
0x16: {  	[hbm:s17] =	stream.linear.scatter [tilespmem:s14], [sflag:$0x3], $0x400, $0x38;
	[tilespmem:$0xC990] =	vst v63  }
.LBB2_7:
0x17: {  	s13 =	sadd.s32 $0xC8, s11  }
0x18: {  	s15 =	smov.u32 s1;
	p2 =	slt.s32 s13, s3  }
0x19: {  	s15 =	smov.u32 @p2 s13;
	p2 =	sne.s32 s12, s10  }
.Ltmp1:
0x1a: {  	p1 =	slt.u32 s12, $0x2;
	(pc) =	sbr.rel @!p2 .LBB2_8-.Ltmp1, $4  }
0x1b: {  	s14 =	simm.s32 @!p1 $0x3  }
0x1c: {  	s16 =	sadd.s32 $0x1, s12;
	_ =	swait.ge @!p1 [sflag:s14], $0x6400  }
0x1d: {  	p0 =	por !p0, !p0;
	s13 =	smov.u32 s11;
	[sflag:s14] =	ssyncset.done @!p1 $0x0  }
0x1e: {  	s12 =	smov.u32 s16;
	s11 =	smov.u32 s15;
	[sflag:s14] =	ssyncadd.s32 @!p1 $0xFFFF9C00  }
.LBB2_1:
0x1f: {  	p1 =	sge.u32 s12, s8  }
0x20: {  	s14 =	sxor.u32 @!p1 $0xFFFFFFFF, s12  }
0x21: {  	s14 =	sand.u32 @!p1 $0x1, s14  }
0x22: {  	s14 =	smul.u32 @!p1 $0x320, s14  }
0x23: {  	s31 =	sadd.s32 $0xFFFFFFFF, s12;
	s15 =	sshrl.u32 @!p1 s11, $0x3  }
0x24: {  	s16 =	sand.u32 @!p1 $0x7, s11;
	s15 =	sadd.s32 @!p1 s4, s15;
	s14 =	sshrl.u32 @!p1 s14, $0x2  }
0x25: {  	[tilespmem:s14], [sflag:$0x2] =	stream.linear.gather @!p1 [hbm4b:s15+s16], $0xC8, $0x38;
	[tilespmem:$0xC990] =	vst v63  }
0x26: {  	p1 =	sge.u32 s31, s8  }
.Ltmp2:
0x27: {  	_ = 	snop;
	(pc) =	sbr.rel @p1 .LBB2_7-.Ltmp2, $1  }
0x28: {  	_ =	sdelay $0x3  }
0x29: {  	s14 =	simm.s32 $0x1  }
0x2a: {  	s14 =	simm.s32 @!p0 $0x0  }
0x2b: {  	s15 =	smul.u32 $0x320, s14  }
0x2c: {  	_ =	swait.ge [sflag:s7], $0xC8  }
0x2d: {  	[sflag:s7] =	ssyncset.done $0x0;
	s16 =	sshrl.u32 s15, $0x2  }
0x2e: {  	[sflag:s7] =	ssyncadd.s32 $0xFFFFFF38;
	s15 =	sadd.s32 $0x0, s16  }
0x2f: {  	v0 =	vld.msk [tilespmem:s15+$0x0 ss:$0x1], $0xffff;
	_ =	sdelay $0x4  }
0x30: {  	vm2 =	vgt.s32 v0, $0x0  }
0x31: {  	v0 =	vnsel vm2, $0x0, v0  }
0x32: {  	v0 =	vmin.u32 v0, $0x1387  }
0x33: {  	v0 =	vshll.u32 v0, $0x4  }
0x34: {  	s14 =	smul.u32 $0x19000, s14  }
0x35: {  	s31 =	sand.u32 $0x1, s12  }
0x36: {  	s17 =	smul.u32 $0x320, s31;
	s14 =	sshrl.u32 s14, $0x2  }
0x37: {  	s19 =	smul.u32 $0x19000, s31;
	s14 =	sor.u32 $0x190, s14  }
0x38: {  	[tilespmem:s14], [sflag:$0x1] =	stream.indirect_vreg.gather [hbm:s5], $0x80, v0, vm0, $0x38;
	[tilespmem:$0xC990] =	vst v63  }
0x39: {  	s18 =	sshrl.u32 s17, $0x2;
	s20 =	sadd.s32 $0x10, s16;
	s15 =	sadd.s32 $0x400, s14  }
0x3a: {  	[tilespmem:s15], [sflag:$0x1] =	stream.indirect_vreg.gather [hbm:s5], $0x80, v0, vm1, $0x38;
	[tilespmem:$0xC990] =	vst v63  }
0x3b: {  	s17 =	sshrl.u32 s19, $0x2;
	s19 =	smov.u32 s14;
	v0 =	vld.msk [tilespmem:s20+$0x0 ss:$0x1], $0xffff;
	s20 =	simm.s32 $0x80  }
.LBB2_3:
0x3c: {  	p1 =	sne.s32 s20, $0x2C0;
	_ =	sdelay $0x4  }
0x3d: {  	vm2 =	vgt.s32 v0, $0x0  }
0x3e: {  	v0 =	vnsel vm2, $0x0, v0  }
0x3f: {  	v0 =	vmin.u32 v0, $0x1387  }
0x40: {  	v0 =	vshll.u32 v0, $0x4;
	_ =	sdelay $0x3  }
.Ltmp3:
0x41: {  	s21 =	sshra.s32 s20, $0x2;
	s19 =	sadd.s32 $0x800, s19;
	(pc) =	sbr.rel @p1 .LBB2_3-.Ltmp3, $4  }
0x42: {  	[tilespmem:s19], [sflag:$0x1] =	stream.indirect_vreg.gather [hbm:s5], $0x80, v0, vm0, $0x38;
	[tilespmem:$0xC990] =	vst v63  }
0x43: {  	s21 =	sadd.s32 s21, s16;
	s22 =	sadd.s32 $0x400, s19  }
0x44: {  	[tilespmem:s22], [sflag:$0x1] =	stream.indirect_vreg.gather [hbm:s5], $0x80, v0, vm1, $0x38;
	[tilespmem:$0xC990] =	vst v63  }
0x45: {  	s20 =	sadd.s32 $0x40, s20;
	v0 =	vld.msk [tilespmem:s21+$0x0 ss:$0x1], $0xffff  }
0x46: {  	_ =	sdelay $0x3  }
0x47: {  	vm2 =	vgt.s32 v0, $0x0  }
0x48: {  	v0 =	vnsel vm2, $0x0, v0  }
0x49: {  	v0 =	vmin.u32 v0, $0x1387  }
0x4a: {  	v0 =	vshll.u32 v0, $0x4;
	_ =	sdelay $0x3  }
0x4b: {  	s16 =	sadd.s32 $0x800, s19  }
0x4c: {  	[tilespmem:s16], [sflag:$0x1] =	stream.indirect_vreg.gather [hbm:s5], $0x80, v0, vm0, $0x38;
	[tilespmem:$0xC990] =	vst v63  }
0x4d: {  	s16 =	sadd.s32 $0x400, s16  }
0x4e: {  	[tilespmem:s16], [sflag:$0x1] =	stream.indirect_vreg.gather [hbm:s5], $0x80, v0, vm1, $0x38;
	[tilespmem:$0xC990] =	vst v63  }
0x4f: {  	v0 =	vld.msk [tilespmem:s18+$0xC0 ss:$0x1], $0xff;
	_ =	sdelay $0x4  }
0x50: {  	vm2 =	vgt.s32 v0, $0x0  }
0x51: {  	v0 =	vnsel vm2, $0x0, v0  }
0x52: {  	v0 =	vmin.u32 v0, $0x1387  }
0x53: {  	v0 =	vshll.u32 v0, $0x4;
	_ =	sdelay $0x3  }
0x54: {  	s31 =	sadd.s32 $0x6190, s17  }
0x55: {  	[tilespmem:s31], [sflag:$0x1] =	stream.indirect_vreg.gather [hbm:s5], $0x80, v0, vm0, $0x38;
	[tilespmem:$0xC990] =	vst v63  }
0x56: {  	s13 =	sshll.u32 s13, $0x4;
	_ =	swait.ge [sflag:s6], $0x6400  }
0x57: {  	s13 =	sadd.s32 s13, s9;
	[sflag:s6] =	ssyncset.done $0x0  }
0x58: {  	s17 =	sadd.s32 $0x0, s13;
	s16 =	simm.s32 $0x80;
	[sflag:s6] =	ssyncadd.s32 $0xFFFF9C00  }
.LBB2_5:
0x59: {  	[hbm:s17] =	stream.linear.scatter [tilespmem:s14], [sflag:$0x3], $0x400, $0x38;
	[tilespmem:$0xC990] =	vst v63  }
0x5a: {  	s17 =	smov.u32 s16;
	s14 =	smov.u32 s15;
	p1 =	sne.s32 s16, $0xC00  }
.Ltmp4:
0x5b: {  	s16 =	sadd.s32 $0x80, s16;
	(pc) =	sbr.rel @p1 .LBB2_5-.Ltmp4, $2  }
0x5c: {  	_ =	sdelay $0x2  }
0x5d: {  	s15 =	sadd.s32 $0x400, s15;
	s17 =	sadd.s32 s17, s13  }
.Ltmp5:
0x5e: {  	_ = 	snop;
	(pc) =	sbr.rel .LBB2_6-.Ltmp5, $1  }
0x5f: {  	_ =	sdelay $0x3  }
.LBB2_8:
0x60: {  	_ =	sfence.sel $0x180000  }
0x61: {  	s1 =	simm.s32 $0x2;
	[bflag:$0x0] =	sbarrier.arrive $0xFFFF  }
0x62: {  	s30 =	simm.s32 $0x3;
	[sflag:s1] =	ssyncpa.u1 $0x1  }
0x63: {  	s31 =	simm.s32 $0x1;
	[sflag:s30] =	ssyncpa.u1 $0x1  }
0x64: {  	[sflag:s31] =	ssyncpa.u1 $0x1  }
0x65: {  	p0 =	sne.s32 s0, $0x0;
	_ =	strace $0x9000004A  }
0x66: {  	s0 =	sadd.s32 @!p0 $0x100000, s2;
	[bflag:$0x2] =	sbarrier.arrive $0xFFFF  }
0x67: {  	[sflag:s0] =	ssyncadd.tile.s32 @!p0 $0x1;
	_ =	shalt  }
.Lfunc_end2:
_tile_overlayer_lowered:
.L_overlay_start_2:
0x68: {  	(tag) =	ssettag $0x2  }
0x69: {  	s0 =	rddreg [dreg:$0x0];
	s2 =	stileid.u32  }
0x6a: {  	s1 =	rddreg [dreg:$0x1];
	p0 =	sne.s32 s2, $0x0  }
0x6b: {  	s3 =	rddreg [dreg:$0x2];
	[bflag:$0x3] =	sbarrier.arrive $0xFFFF;
	s2 =	simm.s32 @!p0 $0x1C01  }
0x6c: {  	[timem:s3], [sflag:s2] =	dma.local @!p0 [hbm:s0], s1  }
0x6d: {  	s0 =	simm.s32 @!p0 $0x1  }
0x6e: {  	_ =	swait.ge @!p0 [sflag:s0], s1  }
0x6f: {  	s1 =	ssub.s32 @!p0 $0x0, s1;
	[sflag:s0] =	ssyncset.done @!p0 $0x0  }
0x70: {  	[sflag:s0] =	ssyncadd.s32 @!p0 s1  }
0x71: {  	[bflag:$0x3] =	sbarrier.arrive $0xFFFF  }
0x72: {  	_ =	shalt  }

</sc_bundles>
